<compile_context>
chip_gen: v7x
topology: tpu7x:2x2x1
jax: 0.10.2.dev20260603
libtpu: 0.0.44.dev20260713+nightly
codegen_flags: <defaults>
</compile_context>

<pallas_src>
import functools

import jax
import jax.numpy as jnp
import numpy as np
from jax import lax
from jax.experimental import pallas as pl
from jax.experimental.pallas import tpu as pltpu
from jax.experimental.pallas import tpu_sc as plsc

B = 128
S = 32768
PREFIX = 16
K = 16384
NB = S // 16
NC, NSUB = 2, 16
NW = NC * NSUB
RPW = B // NW
IMIN = np.int32(-2147483648)
MAGN = np.int32(0x7FFFFFFF)


def _skey(x):
    xi = lax.bitcast_convert_type(x, jnp.int32)
    return xi ^ ((xi >> 31) & MAGN)


def _skey_inv(sk):
    return lax.bitcast_convert_type(sk ^ ((sk >> 31) & MAGN), jnp.float32)


def _dare_body(imp_hbm, keep_hbm, stats_hbm, row_v, buf_v, hist_v, mrg_v, st_v):
    wid = lax.axis_index("s") * NC + lax.axis_index("c")
    lane = lax.broadcasted_iota(jnp.int32, (16,), 0)
    zeros_i = jnp.zeros((16,), jnp.int32)
    zeros_f = jnp.zeros((16,), jnp.float32)
    ones_i = jnp.ones((16,), jnp.int32)

    def row_body(rr, _):
        r = wid * RPW + rr
        pltpu.sync_copy(imp_hbm.at[r], row_v)
        row_v[pl.ds(0, 16)] = jnp.full((16,), -1e30, jnp.float32)

        @plsc.parallel_loop(0, 256, unroll=8)
        def _hzero(i):
            hist_v[pl.ds(i * 16, 16)] = zeros_i

        lane_off = lane * 256 + 128

        @plsc.parallel_loop(0, NB, unroll=8)
        def _hist(i):
            sk = _skey(row_v[pl.ds(i * 16, 16)])
            plsc.addupdate_scatter(hist_v, [(sk >> 24) + lane_off], ones_i)

        def mgrp(g, _):
            def macc(l, acc):
                return acc + hist_v[pl.ds(l * 256 + g * 16, 16)]
            acc = lax.fori_loop(0, 16, macc, zeros_i)
            mrg_v[pl.ds(g * 16, 16)] = acc
            return 0
        lax.fori_loop(0, 16, mgrp, 0)

        acc_b = zeros_i
        acc_cg = zeros_i
        acc_n = zeros_i
        carry = jnp.int32(0)
        for g in range(15, -1, -1):
            v = mrg_v[pl.ds(g * 16, 16)]
            tot = jnp.sum(v)
            cgt_vec = carry + (tot - plsc.cumsum(v))
            found = (cgt_vec < K) & (cgt_vec + v >= K)
            acc_b = acc_b + jnp.where(found, g * 16 + lane, 0)
            acc_cg = acc_cg + jnp.where(found, cgt_vec, 0)
            acc_n = acc_n + jnp.where(found, v, 0)
            carry = carry + tot
        b_hi = jnp.sum(acc_b)
        cgt = jnp.sum(acc_cg)
        n_hi = jnp.sum(acc_n)

        b_hi_s = b_hi - 128

        def comp_body(i, carry):
            cnt_v, mbv = carry
            sk = _skey(row_v[pl.ds(i * 16, 16)])
            b = sk >> 24
            meq = b == b_hi_s
            mbv = jnp.maximum(mbv, jnp.where(b < b_hi_s, sk, IMIN))
            plsc.store_scatter(buf_v, [cnt_v * 16 + lane], sk, mask=meq)
            return cnt_v + jnp.where(meq, 1, 0), mbv
        cnt_v, mbv = plsc.parallel_loop(
            0, NB, unroll=8,
            carry=(zeros_i, jnp.full((16,), IMIN)))(comp_body)
        mb = jnp.max(mbv)
        max_cnt = jnp.max(cnt_v)

        r1 = K - cgt
        r2 = r1 + 1
        r2c = jnp.minimum(r2, n_hi)
        p0 = b_hi_s << 24

        def bit_body(j, carry):
            p1, p2 = carry
            bit = jnp.int32(1) << (23 - j)
            t1 = p1 | bit
            t2 = p2 | bit

            def cnt_body(i, acc):
                a1, a2 = acc
                v = buf_v[pl.ds(i * 16, 16)]
                valid = cnt_v > i
                a1 = a1 + jnp.where(valid & (v >= t1), 1, 0)
                a2 = a2 + jnp.where(valid & (v >= t2), 1, 0)
                return a1, a2
            a1, a2 = plsc.parallel_loop(
                0, max_cnt, unroll=4, carry=(zeros_i, zeros_i))(cnt_body)
            p1 = jnp.where(jnp.sum(a1) >= r1, t1, p1)
            p2 = jnp.where(jnp.sum(a2) >= r2c, t2, p2)
            return p1, p2
        p1, p2 = lax.fori_loop(0, 24, bit_body, (p0, p0))

        v_hi = _skey_inv(p1)
        v_lo = _skey_inv(jnp.where(r2 <= n_hi, p2, mb))
        thresh = jnp.float32(0.5) * (v_hi + v_lo)

        buf_v[pl.ds(0, 16)] = ones_i

        def fin_body(i, carry):
            cv, dv = carry
            x = row_v[pl.ds(i * 16, 16)]
            keep = x > thresh
            cv = cv + jnp.where(keep, 1, 0)
            dv = dv + jnp.where(keep, 0.0, x)
            buf_v[pl.ds(i * 16, 16)] = jnp.where(keep, 1, 0)
            return cv, dv
        cv, dv = plsc.parallel_loop(
            1, NB, unroll=8, carry=(zeros_i, zeros_f))(fin_body)

        cnt_f = jnp.sum(cv).astype(jnp.float32)
        dsum = jnp.sum(dv)
        st_v[...] = jnp.where(lane == 0, cnt_f,
                              jnp.where(lane == 1, dsum, jnp.float32(0.0)))
        pltpu.sync_copy(buf_v, keep_hbm.at[r])
        pltpu.sync_copy(st_v, stats_hbm.at[r])
        return 0

    lax.fori_loop(0, RPW, row_body, 0)


_dare_call = functools.partial(
    pl.kernel,
    out_type=[
        jax.ShapeDtypeStruct((B, S), jnp.int32),
        jax.ShapeDtypeStruct((B, 16), jnp.float32),
    ],
    mesh=plsc.VectorSubcoreMesh(
        core_axis_name="c", subcore_axis_name="s",
        num_cores=NC, num_subcores=NSUB),
    scratch_types=[
        pltpu.VMEM((S,), jnp.float32),
        pltpu.VMEM((S,), jnp.int32),
        pltpu.VMEM((16 * 256,), jnp.int32),
        pltpu.VMEM((256,), jnp.int32),
        pltpu.VMEM((16,), jnp.float32),
    ],
    compiler_params=pltpu.CompilerParams(needs_layout_passes=False),
)(_dare_body)


def kernel(importance, modality_mask, is_visual, layer_idx, training):
    keep_i, stats = _dare_call(importance)
    keep = keep_i != 0

    rho = jnp.float32(0.5)
    kept = stats[:, 0] + jnp.float32(PREFIX)
    ratio = kept / (jnp.float32(S) + 1e-6)
    loss_ratio = jnp.mean(jnp.abs(ratio - rho))
    dropped = jnp.float32(S) - kept
    cnt = jnp.sum(dropped)
    dsum = jnp.sum(stats[:, 1])
    loss_soft = jnp.where(cnt > 0, dsum / jnp.maximum(cnt, 1.0),
                          jnp.float32(0.0))
    loss_hard = jnp.mean(jnp.maximum(rho - ratio, 0.0))
    return keep, 1.0 * loss_ratio, 0.1 * loss_soft, 1.0 * loss_hard

# --- scband reference (transcript-rebuilt; emitter-appended) ---
"""Pipeline reference for scband-darecontroller-38628935860884 (READ-ONLY COPY).

The authoritative reference and input builder live on the scoring server;
editing this copy changes nothing except your own understanding.
"""

import jax, jax.numpy as jnp
import numpy as np

TAU = 0.1
RHO_VIS = 0.5
RHO_TEXT = 0.9
KAPPA = 16
L_RATIO = 1.0
L_SOFT = 0.1
L_HARD = 1.0


def setup_inputs(seed: int = 0) -> dict:
    key = jax.random.key(seed)
    k1, _ = jax.random.split(key)
    B, S = 128, 32768
    importance = jax.random.normal(k1, (B, S), dtype=jnp.float32)
    modality_mask = jnp.ones((B, S), dtype=bool)
    return {
        "importance": importance,
        "modality_mask": modality_mask,
        "is_visual": 1,
        "layer_idx": 0,
        "training": 1,
    }


def _route(importance, modality_mask, is_visual, training):
    B, S = importance.shape
    iv = is_visual != 0
    tr = training != 0
    rho = jnp.where(iv, jnp.float32(RHO_VIS), jnp.float32(RHO_TEXT))
    valid = modality_mask.astype(bool)
    target_tokens = jnp.maximum(valid.sum(axis=1).astype(jnp.float32) * rho, 1.0)
    prefix_len = min(KAPPA, S)
    col = jnp.arange(S)
    prefix_mask = jnp.broadcast_to((col < prefix_len)[None, :], (B, S))
    effective = valid & (col >= prefix_len)[None, :]
    neg_inf = jnp.float32(-1e30)
    scores = jnp.where(effective, importance, neg_inf)
    n_valid = effective.sum(axis=1).astype(jnp.int32)
    k_b = jnp.minimum(target_tokens.astype(jnp.int32), n_valid)
    # descending sort per row (memory-heavy op over B*S)
    sorted_scores = -jnp.sort(-scores, axis=1)
    idx_hi = jnp.clip(k_b - 1, 0, S - 1)
    idx_lo = jnp.clip(k_b, 0, S - 1)
    v_hi = jnp.take_along_axis(sorted_scores, idx_hi[:, None], axis=1)
    v_lo = jnp.take_along_axis(sorted_scores, idx_lo[:, None], axis=1)
    thresh = 0.5 * (v_hi + v_lo)
    soft_train = jax.nn.sigmoid((scores - thresh) / TAU)
    soft_eval = (scores > thresh).astype(jnp.float32)
    soft = jnp.where(tr, soft_train, soft_eval)
    hard = (soft > 0.5) & effective & (k_b[:, None] > 0)
    keep_mask = prefix_mask | hard

    kept_counts = (keep_mask & valid).sum(axis=1).astype(jnp.float32)
    actual_ratio = kept_counts / (valid.sum(axis=1).astype(jnp.float32) + 1e-6)
    zero = jnp.float32(0.0)
    loss_ratio_train = jnp.mean(jnp.abs(actual_ratio - rho))
    dropped = valid & (~keep_mask)
    cnt = dropped.sum().astype(jnp.float32)
    loss_soft_vis = jnp.where(
        cnt > 0,
        jnp.sum(jnp.where(dropped, importance, 0.0)) / jnp.maximum(cnt, 1.0),
        0.0,
    )
    loss_hard_vis = jnp.mean(jnp.maximum(rho - actual_ratio, 0.0))
    loss_ratio = jnp.where(tr, loss_ratio_train, zero)
    loss_soft = jnp.where(tr & iv, loss_soft_vis, zero)
    loss_hard = jnp.where(tr & iv, loss_hard_vis, zero)
    return (
        keep_mask,
        L_RATIO * loss_ratio,
        L_SOFT * loss_soft,
        L_HARD * loss_hard,
    )


def reference(importance, modality_mask, is_visual, layer_idx, training):
    keep_mask, lr, ls, lh = _route(importance, modality_mask, is_visual, training)
    return (keep_mask, lr, ls, lh)

if __name__ == "__main__":
    import jax
    _d = setup_inputs()
    print(jax.jit(kernel)(*tuple(_d.values())))

</pallas_src>

<mosaic_0001>
#map = affine_map<(d0, d1) -> (0, 0)>
module attributes {stable_mosaic.version = 14 : i64} {
  func.func @_dare_body(%arg0: i32, %arg1: i32, %arg2: memref<128x32768xf32, #tpu.memory_space<hbm>>, %arg3: memref<128x32768xi32, #tpu.memory_space<hbm>>, %arg4: memref<128x16xf32, #tpu.memory_space<hbm>>, %arg5: memref<32768xf32, #tpu.memory_space<vmem>>, %arg6: memref<32768xi32, #tpu.memory_space<vmem>>, %arg7: memref<4096xi32, #tpu.memory_space<vmem>>, %arg8: memref<256xi32, #tpu.memory_space<vmem>>, %arg9: memref<16xf32, #tpu.memory_space<vmem>>) attributes {dimension_semantics = [#tpu.dimension_semantics<core_parallel>, #tpu.dimension_semantics<subcore_parallel>], iteration_bounds = array<i64: 2, 16>, scalar_prefetch = 0 : i64, scratch_operands = 5 : i64, tpu.core_type = #tpu.core_type<sc_vector_subcore>, window_params = [{transform_indices = #map}, {transform_indices = #map}, {transform_indices = #map}]} {
    %mul3A = arith.constant 2 : i32
    %mul3A_0 = arith.muli %arg1, %mul3A : i32
    %add3A = arith.addi %mul3A_0, %arg0 : i32
    %iota3A = tpu.iota {dimensions = array<i32: 0>} : vector<16xi32>
    %broadcast_in_dim3A = arith.constant 0 : i32
    %broadcast_in_dim3A_1 = vector.broadcast %broadcast_in_dim3A : i32 to vector<16xi32>
    %broadcast_in_dim3A_2 = arith.constant 0.000000e+00 : f32
    %broadcast_in_dim3A_3 = vector.broadcast %broadcast_in_dim3A_2 : f32 to vector<16xf32>
    %broadcast_in_dim3A_4 = arith.constant 1 : i32
    %broadcast_in_dim3A_5 = vector.broadcast %broadcast_in_dim3A_4 : i32 to vector<16xi32>
    %scan3A = arith.constant 0 : i32
    %scan3A_6 = arith.constant 0 : i32
    %scan3A_7 = arith.constant 4 : i32
    %scan3A_8 = arith.addi %scan3A_6, %scan3A_7 : i32
    %scan3A_9 = arith.constant 1 : i32
    %scan3A_10 = scf.for %scan3A_12 = %scan3A_6 to %scan3A_8 step %scan3A_9 iter_args(%scan3A_13 = %scan3A) -> (i32)  : i32 {
      %mul3A_14 = arith.constant 4 : i32
      %mul3A_15 = arith.muli %add3A, %mul3A_14 : i32
      %add3A_16 = arith.addi %mul3A_15, %scan3A_12 : i32
      "tpu.region"() ({
        %run_scoped3A = tpu.sem_alloc : memref<!tpu.dma_semaphore, #tpu.memory_space<semaphore_mem>>
        %dma_start3A = arith.constant 0 : i32
        %dma_start3A_710 = tpu.memref_slice %arg2[%add3A_16, %dma_start3A] : memref<128x32768xf32, #tpu.memory_space<hbm>> -> memref<1x32768xf32, #tpu.memory_space<hbm>>
        %dma_start3A_711 = tpu.memref_squeeze %dma_start3A_710 : memref<1x32768xf32, #tpu.memory_space<hbm>> -> memref<32768xf32, #tpu.memory_space<hbm>>
        %dma_start3A_712 = arith.constant 0 : i32
        %dma_start3A_713 = tpu.memref_slice %arg2[%add3A_16, %dma_start3A_712] : memref<128x32768xf32, #tpu.memory_space<hbm>> -> memref<1x32768xf32, #tpu.memory_space<hbm>>
        %dma_start3A_714 = tpu.memref_squeeze %dma_start3A_713 : memref<1x32768xf32, #tpu.memory_space<hbm>> -> memref<32768xf32, #tpu.memory_space<hbm>>
        tpu.enqueue_dma source(%dma_start3A_714 : memref<32768xf32, #tpu.memory_space<hbm>>) target(%arg5 : memref<32768xf32, #tpu.memory_space<vmem>>) target_semaphore(%run_scoped3A : memref<!tpu.dma_semaphore, #tpu.memory_space<semaphore_mem>>)
        %dma_wait3A = arith.constant 0 : i32
        %dma_wait3A_715 = tpu.memref_slice %arg2[%add3A_16, %dma_wait3A] : memref<128x32768xf32, #tpu.memory_space<hbm>> -> memref<1x32768xf32, #tpu.memory_space<hbm>>
        %dma_wait3A_716 = tpu.memref_squeeze %dma_wait3A_715 : memref<1x32768xf32, #tpu.memory_space<hbm>> -> memref<32768xf32, #tpu.memory_space<hbm>>
        %dma_wait3A_717 = arith.constant 0 : i32
        %dma_wait3A_718 = tpu.memref_slice %arg2[%add3A_16, %dma_wait3A_717] : memref<128x32768xf32, #tpu.memory_space<hbm>> -> memref<1x32768xf32, #tpu.memory_space<hbm>>
        %dma_wait3A_719 = tpu.memref_squeeze %dma_wait3A_718 : memref<1x32768xf32, #tpu.memory_space<hbm>> -> memref<32768xf32, #tpu.memory_space<hbm>>
        tpu.wait_dma2 semaphore(%run_scoped3A : memref<!tpu.dma_semaphore, #tpu.memory_space<semaphore_mem>>) src(%dma_wait3A_719 : memref<32768xf32, #tpu.memory_space<hbm>>) dst(%arg5 : memref<32768xf32, #tpu.memory_space<vmem>>)
        tpu.yield
      }) : () -> ()
      %broadcast_in_dim3A_17 = arith.constant -1.000000e+30 : f32
      %broadcast_in_dim3A_18 = vector.broadcast %broadcast_in_dim3A_17 : f32 to vector<16xf32>
      %swap3A = arith.constant 0 : index
      %swap3A_19 = tpu.vector_load %arg5[%swap3A] {strides = array<i32>} : memref<32768xf32, #tpu.memory_space<vmem>>, vector<16xf32>,
      tpu.vector_store %arg5[%swap3A], %broadcast_in_dim3A_18 {strides = array<i32>} : memref<32768xf32, #tpu.memory_space<vmem>>, vector<16xf32>,
      %parallel_loop3A = arith.constant 0 : i32
      %parallel_loop3A_20 = arith.constant 256 : i32
      %parallel_loop3A_21 = arith.constant 1 : i32
      scf.for %parallel_loop3A_710 = %parallel_loop3A to %parallel_loop3A_20 step %parallel_loop3A_21  : i32 {
        %parallel_loop3A_711 = arith.constant 16 : i32
        %parallel_loop3A_712 = arith.muli %parallel_loop3A_710, %parallel_loop3A_711 : i32
        %parallel_loop3A_713 = arith.index_cast %parallel_loop3A_712 : i32 to index
        %parallel_loop3A_714 = tpu.vector_load %arg7[%parallel_loop3A_713] {strides = array<i32>} : memref<4096xi32, #tpu.memory_space<vmem>>, vector<16xi32>,
        tpu.vector_store %arg7[%parallel_loop3A_713], %broadcast_in_dim3A_1 {strides = array<i32>} : memref<4096xi32, #tpu.memory_space<vmem>>, vector<16xi32>,
      } {sc.loop_unroll_factor = 8 : i64, sc.parallel_access}
      %mul3A_22 = arith.constant 256 : i32
      %mul3A_23 = vector.broadcast %mul3A_22 : i32 to vector<16xi32>
      %mul3A_24 = arith.muli %iota3A, %mul3A_23 : vector<16xi32>
      %add3A_25 = arith.constant 128 : i32
      %add3A_26 = vector.broadcast %add3A_25 : i32 to vector<16xi32>
      %add3A_27 = arith.addi %mul3A_24, %add3A_26 : vector<16xi32>
      %parallel_loop3A_28 = arith.constant 0 : i32
      %parallel_loop3A_29 = arith.constant 2048 : i32
      %parallel_loop3A_30 = arith.constant 1 : i32
      scf.for %parallel_loop3A_710 = %parallel_loop3A_28 to %parallel_loop3A_29 step %parallel_loop3A_30  : i32 {
        %parallel_loop3A_711 = arith.constant 16 : i32
        %parallel_loop3A_712 = arith.muli %parallel_loop3A_710, %parallel_loop3A_711 : i32
        %parallel_loop3A_713 = arith.index_cast %parallel_loop3A_712 : i32 to index
        %parallel_loop3A_714 = tpu.vector_load %arg5[%parallel_loop3A_713] {strides = array<i32>} : memref<32768xf32, #tpu.memory_space<vmem>>, vector<16xf32>,
        %parallel_loop3A_715 = tpu.bitcast %parallel_loop3A_714 : vector<16xf32> -> vector<16xi32>
        %parallel_loop3A_716 = arith.constant 31 : i32
        %parallel_loop3A_717 = vector.broadcast %parallel_loop3A_716 : i32 to vector<16xi32>
        %parallel_loop3A_718 = arith.shrsi %parallel_loop3A_715, %parallel_loop3A_717 : vector<16xi32>
        %parallel_loop3A_719 = arith.constant 2147483647 : i32
        %parallel_loop3A_720 = vector.broadcast %parallel_loop3A_719 : i32 to vector<16xi32>
        %parallel_loop3A_721 = arith.andi %parallel_loop3A_718, %parallel_loop3A_720 : vector<16xi32>
        %parallel_loop3A_722 = arith.xori %parallel_loop3A_715, %parallel_loop3A_721 : vector<16xi32>
        %parallel_loop3A_723 = arith.constant 24 : i32
        %parallel_loop3A_724 = vector.broadcast %parallel_loop3A_723 : i32 to vector<16xi32>
        %parallel_loop3A_725 = arith.shrsi %parallel_loop3A_722, %parallel_loop3A_724 : vector<16xi32>
        %parallel_loop3A_726 = arith.addi %parallel_loop3A_725, %add3A_27 : vector<16xi32>
        tpu.vector_store_idx %arg7[%parallel_loop3A_726], %broadcast_in_dim3A_5 {add = true} : memref<4096xi32, #tpu.memory_space<vmem>>[vector<16xi32>], vector<16xi32>,
      } {sc.loop_unroll_factor = 8 : i64, sc.parallel_access}
      %scan3A_31 = arith.constant 0 : i32
      %scan3A_32 = arith.constant 0 : i32
      %scan3A_33 = arith.constant 16 : i32
      %scan3A_34 = arith.addi %scan3A_32, %scan3A_33 : i32
      %scan3A_35 = arith.constant 1 : i32
      %scan3A_36 = scf.for %scan3A_710 = %scan3A_32 to %scan3A_34 step %scan3A_35 iter_args(%scan3A_711 = %scan3A_31) -> (i32)  : i32 {
        %scan3A_712 = arith.constant 0 : i32
        %scan3A_713 = arith.constant 16 : i32
        %scan3A_714 = arith.addi %scan3A_712, %scan3A_713 : i32
        %scan3A_715 = arith.constant 1 : i32
        %scan3A_716 = scf.for %scan3A_723 = %scan3A_712 to %scan3A_714 step %scan3A_715 iter_args(%scan3A_724 = %broadcast_in_dim3A_1) -> (vector<16xi32>)  : i32 {
          %mul3A_725 = arith.constant 256 : i32
          %mul3A_726 = arith.muli %scan3A_723, %mul3A_725 : i32
          %mul3A_727 = arith.constant 16 : i32
          %mul3A_728 = arith.muli %scan3A_710, %mul3A_727 : i32
          %add3A_729 = arith.addi %mul3A_726, %mul3A_728 : i32
          %get3A_730 = arith.index_cast %add3A_729 : i32 to index
          %get3A_731 = tpu.vector_load %arg7[%get3A_730] {strides = array<i32>} : memref<4096xi32, #tpu.memory_space<vmem>>, vector<16xi32>,
          %add3A_732 = arith.addi %scan3A_724, %get3A_731 : vector<16xi32>
          scf.yield %add3A_732 : vector<16xi32>
        }
        %scan3A_717 = arith.constant 16 : i32
        %mul3A_718 = arith.constant 16 : i32
        %mul3A_719 = arith.muli %scan3A_710, %mul3A_718 : i32
        %swap3A_720 = arith.index_cast %mul3A_719 : i32 to index
        %swap3A_721 = tpu.vector_load %arg8[%swap3A_720] {strides = array<i32>} : memref<256xi32, #tpu.memory_space<vmem>>, vector<16xi32>,
        tpu.vector_store %arg8[%swap3A_720], %scan3A_716 {strides = array<i32>} : memref<256xi32, #tpu.memory_space<vmem>>, vector<16xi32>,
        %scan3A_722 = arith.constant 0 : i32
        scf.yield %scan3A_722 : i32
      }
      %scan3A_37 = arith.constant 16 : i32
      %get3A = arith.constant 240 : index
      %get3A_38 = tpu.vector_load %arg8[%get3A] {strides = array<i32>} : memref<256xi32, #tpu.memory_space<vmem>>, vector<16xi32>,
      %reduce_sum3A = arith.constant true
      %reduce_sum3A_39 = vector.broadcast %reduce_sum3A : i1 to vector<16xi1>
      %reduce_sum3A_40 = tpu.scan <sum>, %get3A_38 masked %reduce_sum3A_39 : vector<16xi32>, vector<16xi1> -> vector<16xi32>
      %reduce_sum3A_41 = vector.extract %reduce_sum3A_40[15] : i32 from vector<16xi32>
      %broadcast_in_dim3A_42 = arith.constant true
      %broadcast_in_dim3A_43 = vector.broadcast %broadcast_in_dim3A_42 : i1 to vector<16xi1>
      %masked_cumsum3A = tpu.scan <sum>, %get3A_38 masked %broadcast_in_dim3A_43 : vector<16xi32>, vector<16xi1> -> vector<16xi32>
      %sub3A = vector.broadcast %reduce_sum3A_41 : i32 to vector<16xi32>
      %sub3A_44 = arith.subi %sub3A, %masked_cumsum3A : vector<16xi32>
      %add3A_45 = arith.constant 0 : i32
      %add3A_46 = vector.broadcast %add3A_45 : i32 to vector<16xi32>
      %add3A_47 = arith.addi %add3A_46, %sub3A_44 : vector<16xi32>
      %lt3A = arith.constant 16384 : i32
      %lt3A_48 = vector.broadcast %lt3A : i32 to vector<16xi32>
      %lt3A_49 = arith.cmpi slt, %add3A_47, %lt3A_48 : vector<16xi32>
      %add3A_50 = arith.addi %add3A_47, %get3A_38 : vector<16xi32>
      %ge3A = arith.constant 16384 : i32
      %ge3A_51 = vector.broadcast %ge3A : i32 to vector<16xi32>
      %ge3A_52 = arith.cmpi sge, %add3A_50, %ge3A_51 : vector<16xi32>
      %and3A = arith.andi %lt3A_49, %ge3A_52 : vector<16xi1>
      %add3A_53 = arith.constant 240 : i32
      %add3A_54 = vector.broadcast %add3A_53 : i32 to vector<16xi32>
      %add3A_55 = arith.addi %add3A_54, %iota3A : vector<16xi32>
      %jit3A = arith.constant 0 : i32
      %broadcast_in_dim3A_56 = vector.broadcast %jit3A : i32 to vector<16xi32>
      %select_n3A = arith.select %and3A, %add3A_55, %broadcast_in_dim3A_56 : vector<16xi1>, vector<16xi32>
      %add3A_57 = arith.addi %broadcast_in_dim3A_1, %select_n3A : vector<16xi32>
      %jit3A_58 = arith.constant 0 : i32
      %broadcast_in_dim3A_59 = vector.broadcast %jit3A_58 : i32 to vector<16xi32>
      %select_n3A_60 = arith.select %and3A, %add3A_47, %broadcast_in_dim3A_59 : vector<16xi1>, vector<16xi32>
      %add3A_61 = arith.addi %broadcast_in_dim3A_1, %select_n3A_60 : vector<16xi32>
      %jit3A_62 = arith.constant 0 : i32
      %broadcast_in_dim3A_63 = vector.broadcast %jit3A_62 : i32 to vector<16xi32>
      %select_n3A_64 = arith.select %and3A, %get3A_38, %broadcast_in_dim3A_63 : vector<16xi1>, vector<16xi32>
      %add3A_65 = arith.addi %broadcast_in_dim3A_1, %select_n3A_64 : vector<16xi32>
      %add3A_66 = arith.constant 0 : i32
      %add3A_67 = arith.addi %add3A_66, %reduce_sum3A_41 : i32
      %get3A_68 = arith.constant 224 : index
      %get3A_69 = tpu.vector_load %arg8[%get3A_68] {strides = array<i32>} : memref<256xi32, #tpu.memory_space<vmem>>, vector<16xi32>,
      %reduce_sum3A_70 = arith.constant true
      %reduce_sum3A_71 = vector.broadcast %reduce_sum3A_70 : i1 to vector<16xi1>
      %reduce_sum3A_72 = tpu.scan <sum>, %get3A_69 masked %reduce_sum3A_71 : vector<16xi32>, vector<16xi1> -> vector<16xi32>
      %reduce_sum3A_73 = vector.extract %reduce_sum3A_72[15] : i32 from vector<16xi32>
      %broadcast_in_dim3A_74 = arith.constant true
      %broadcast_in_dim3A_75 = vector.broadcast %broadcast_in_dim3A_74 : i1 to vector<16xi1>
      %masked_cumsum3A_76 = tpu.scan <sum>, %get3A_69 masked %broadcast_in_dim3A_75 : vector<16xi32>, vector<16xi1> -> vector<16xi32>
      %sub3A_77 = vector.broadcast %reduce_sum3A_73 : i32 to vector<16xi32>
      %sub3A_78 = arith.subi %sub3A_77, %masked_cumsum3A_76 : vector<16xi32>
      %add3A_79 = vector.broadcast %add3A_67 : i32 to vector<16xi32>
      %add3A_80 = arith.addi %add3A_79, %sub3A_78 : vector<16xi32>
      %lt3A_81 = arith.constant 16384 : i32
      %lt3A_82 = vector.broadcast %lt3A_81 : i32 to vector<16xi32>
      %lt3A_83 = arith.cmpi slt, %add3A_80, %lt3A_82 : vector<16xi32>
      %add3A_84 = arith.addi %add3A_80, %get3A_69 : vector<16xi32>
      %ge3A_85 = arith.constant 16384 : i32
      %ge3A_86 = vector.broadcast %ge3A_85 : i32 to vector<16xi32>
      %ge3A_87 = arith.cmpi sge, %add3A_84, %ge3A_86 : vector<16xi32>
      %and3A_88 = arith.andi %lt3A_83, %ge3A_87 : vector<16xi1>
      %add3A_89 = arith.constant 224 : i32
      %add3A_90 = vector.broadcast %add3A_89 : i32 to vector<16xi32>
      %add3A_91 = arith.addi %add3A_90, %iota3A : vector<16xi32>
      %jit3A_92 = arith.constant 0 : i32
      %broadcast_in_dim3A_93 = vector.broadcast %jit3A_92 : i32 to vector<16xi32>
      %select_n3A_94 = arith.select %and3A_88, %add3A_91, %broadcast_in_dim3A_93 : vector<16xi1>, vector<16xi32>
      %add3A_95 = arith.addi %add3A_57, %select_n3A_94 : vector<16xi32>
      %jit3A_96 = arith.constant 0 : i32
      %broadcast_in_dim3A_97 = vector.broadcast %jit3A_96 : i32 to vector<16xi32>
      %select_n3A_98 = arith.select %and3A_88, %add3A_80, %broadcast_in_dim3A_97 : vector<16xi1>, vector<16xi32>
      %add3A_99 = arith.addi %add3A_61, %select_n3A_98 : vector<16xi32>
      %jit3A_100 = arith.constant 0 : i32
      %broadcast_in_dim3A_101 = vector.broadcast %jit3A_100 : i32 to vector<16xi32>
      %select_n3A_102 = arith.select %and3A_88, %get3A_69, %broadcast_in_dim3A_101 : vector<16xi1>, vector<16xi32>
      %add3A_103 = arith.addi %add3A_65, %select_n3A_102 : vector<16xi32>
      %add3A_104 = arith.addi %add3A_67, %reduce_sum3A_73 : i32
      %get3A_105 = arith.constant 208 : index
      %get3A_106 = tpu.vector_load %arg8[%get3A_105] {strides = array<i32>} : memref<256xi32, #tpu.memory_space<vmem>>, vector<16xi32>,
      %reduce_sum3A_107 = arith.constant true
      %reduce_sum3A_108 = vector.broadcast %reduce_sum3A_107 : i1 to vector<16xi1>
      %reduce_sum3A_109 = tpu.scan <sum>, %get3A_106 masked %reduce_sum3A_108 : vector<16xi32>, vector<16xi1> -> vector<16xi32>
      %reduce_sum3A_110 = vector.extract %reduce_sum3A_109[15] : i32 from vector<16xi32>
      %broadcast_in_dim3A_111 = arith.constant true
      %broadcast_in_dim3A_112 = vector.broadcast %broadcast_in_dim3A_111 : i1 to vector<16xi1>
      %masked_cumsum3A_113 = tpu.scan <sum>, %get3A_106 masked %broadcast_in_dim3A_112 : vector<16xi32>, vector<16xi1> -> vector<16xi32>
      %sub3A_114 = vector.broadcast %reduce_sum3A_110 : i32 to vector<16xi32>
      %sub3A_115 = arith.subi %sub3A_114, %masked_cumsum3A_113 : vector<16xi32>
      %add3A_116 = vector.broadcast %add3A_104 : i32 to vector<16xi32>
      %add3A_117 = arith.addi %add3A_116, %sub3A_115 : vector<16xi32>
      %lt3A_118 = arith.constant 16384 : i32
      %lt3A_119 = vector.broadcast %lt3A_118 : i32 to vector<16xi32>
      %lt3A_120 = arith.cmpi slt, %add3A_117, %lt3A_119 : vector<16xi32>
      %add3A_121 = arith.addi %add3A_117, %get3A_106 : vector<16xi32>
      %ge3A_122 = arith.constant 16384 : i32
      %ge3A_123 = vector.broadcast %ge3A_122 : i32 to vector<16xi32>
      %ge3A_124 = arith.cmpi sge, %add3A_121, %ge3A_123 : vector<16xi32>
      %and3A_125 = arith.andi %lt3A_120, %ge3A_124 : vector<16xi1>
      %add3A_126 = arith.constant 208 : i32
      %add3A_127 = vector.broadcast %add3A_126 : i32 to vector<16xi32>
      %add3A_128 = arith.addi %add3A_127, %iota3A : vector<16xi32>
      %jit3A_129 = arith.constant 0 : i32
      %broadcast_in_dim3A_130 = vector.broadcast %jit3A_129 : i32 to vector<16xi32>
      %select_n3A_131 = arith.select %and3A_125, %add3A_128, %broadcast_in_dim3A_130 : vector<16xi1>, vector<16xi32>
      %add3A_132 = arith.addi %add3A_95, %select_n3A_131 : vector<16xi32>
      %jit3A_133 = arith.constant 0 : i32
      %broadcast_in_dim3A_134 = vector.broadcast %jit3A_133 : i32 to vector<16xi32>
      %select_n3A_135 = arith.select %and3A_125, %add3A_117, %broadcast_in_dim3A_134 : vector<16xi1>, vector<16xi32>
      %add3A_136 = arith.addi %add3A_99, %select_n3A_135 : vector<16xi32>
      %jit3A_137 = arith.constant 0 : i32
      %broadcast_in_dim3A_138 = vector.broadcast %jit3A_137 : i32 to vector<16xi32>
      %select_n3A_139 = arith.select %and3A_125, %get3A_106, %broadcast_in_dim3A_138 : vector<16xi1>, vector<16xi32>
      %add3A_140 = arith.addi %add3A_103, %select_n3A_139 : vector<16xi32>
      %add3A_141 = arith.addi %add3A_104, %reduce_sum3A_110 : i32
      %get3A_142 = arith.constant 192 : index
      %get3A_143 = tpu.vector_load %arg8[%get3A_142] {strides = array<i32>} : memref<256xi32, #tpu.memory_space<vmem>>, vector<16xi32>,
      %reduce_sum3A_144 = arith.constant true
      %reduce_sum3A_145 = vector.broadcast %reduce_sum3A_144 : i1 to vector<16xi1>
      %reduce_sum3A_146 = tpu.scan <sum>, %get3A_143 masked %reduce_sum3A_145 : vector<16xi32>, vector<16xi1> -> vector<16xi32>
      %reduce_sum3A_147 = vector.extract %reduce_sum3A_146[15] : i32 from vector<16xi32>
      %broadcast_in_dim3A_148 = arith.constant true
      %broadcast_in_dim3A_149 = vector.broadcast %broadcast_in_dim3A_148 : i1 to vector<16xi1>
      %masked_cumsum3A_150 = tpu.scan <sum>, %get3A_143 masked %broadcast_in_dim3A_149 : vector<16xi32>, vector<16xi1> -> vector<16xi32>
      %sub3A_151 = vector.broadcast %reduce_sum3A_147 : i32 to vector<16xi32>
      %sub3A_152 = arith.subi %sub3A_151, %masked_cumsum3A_150 : vector<16xi32>
      %add3A_153 = vector.broadcast %add3A_141 : i32 to vector<16xi32>
      %add3A_154 = arith.addi %add3A_153, %sub3A_152 : vector<16xi32>
      %lt3A_155 = arith.constant 16384 : i32
      %lt3A_156 = vector.broadcast %lt3A_155 : i32 to vector<16xi32>
      %lt3A_157 = arith.cmpi slt, %add3A_154, %lt3A_156 : vector<16xi32>
      %add3A_158 = arith.addi %add3A_154, %get3A_143 : vector<16xi32>
      %ge3A_159 = arith.constant 16384 : i32
      %ge3A_160 = vector.broadcast %ge3A_159 : i32 to vector<16xi32>
      %ge3A_161 = arith.cmpi sge, %add3A_158, %ge3A_160 : vector<16xi32>
      %and3A_162 = arith.andi %lt3A_157, %ge3A_161 : vector<16xi1>
      %add3A_163 = arith.constant 192 : i32
      %add3A_164 = vector.broadcast %add3A_163 : i32 to vector<16xi32>
      %add3A_165 = arith.addi %add3A_164, %iota3A : vector<16xi32>
      %jit3A_166 = arith.constant 0 : i32
      %broadcast_in_dim3A_167 = vector.broadcast %jit3A_166 : i32 to vector<16xi32>
      %select_n3A_168 = arith.select %and3A_162, %add3A_165, %broadcast_in_dim3A_167 : vector<16xi1>, vector<16xi32>
      %add3A_169 = arith.addi %add3A_132, %select_n3A_168 : vector<16xi32>
      %jit3A_170 = arith.constant 0 : i32
      %broadcast_in_dim3A_171 = vector.broadcast %jit3A_170 : i32 to vector<16xi32>
      %select_n3A_172 = arith.select %and3A_162, %add3A_154, %broadcast_in_dim3A_171 : vector<16xi1>, vector<16xi32>
      %add3A_173 = arith.addi %add3A_136, %select_n3A_172 : vector<16xi32>
      %jit3A_174 = arith.constant 0 : i32
      %broadcast_in_dim3A_175 = vector.broadcast %jit3A_174 : i32 to vector<16xi32>
      %select_n3A_176 = arith.select %and3A_162, %get3A_143, %broadcast_in_dim3A_175 : vector<16xi1>, vector<16xi32>
      %add3A_177 = arith.addi %add3A_140, %select_n3A_176 : vector<16xi32>
      %add3A_178 = arith.addi %add3A_141, %reduce_sum3A_147 : i32
      %get3A_179 = arith.constant 176 : index
      %get3A_180 = tpu.vector_load %arg8[%get3A_179] {strides = array<i32>} : memref<256xi32, #tpu.memory_space<vmem>>, vector<16xi32>,
      %reduce_sum3A_181 = arith.constant true
      %reduce_sum3A_182 = vector.broadcast %reduce_sum3A_181 : i1 to vector<16xi1>
      %reduce_sum3A_183 = tpu.scan <sum>, %get3A_180 masked %reduce_sum3A_182 : vector<16xi32>, vector<16xi1> -> vector<16xi32>
      %reduce_sum3A_184 = vector.extract %reduce_sum3A_183[15] : i32 from vector<16xi32>
      %broadcast_in_dim3A_185 = arith.constant true
      %broadcast_in_dim3A_186 = vector.broadcast %broadcast_in_dim3A_185 : i1 to vector<16xi1>
      %masked_cumsum3A_187 = tpu.scan <sum>, %get3A_180 masked %broadcast_in_dim3A_186 : vector<16xi32>, vector<16xi1> -> vector<16xi32>
      %sub3A_188 = vector.broadcast %reduce_sum3A_184 : i32 to vector<16xi32>
      %sub3A_189 = arith.subi %sub3A_188, %masked_cumsum3A_187 : vector<16xi32>
      %add3A_190 = vector.broadcast %add3A_178 : i32 to vector<16xi32>
      %add3A_191 = arith.addi %add3A_190, %sub3A_189 : vector<16xi32>
      %lt3A_192 = arith.constant 16384 : i32
      %lt3A_193 = vector.broadcast %lt3A_192 : i32 to vector<16xi32>
      %lt3A_194 = arith.cmpi slt, %add3A_191, %lt3A_193 : vector<16xi32>
      %add3A_195 = arith.addi %add3A_191, %get3A_180 : vector<16xi32>
      %ge3A_196 = arith.constant 16384 : i32
      %ge3A_197 = vector.broadcast %ge3A_196 : i32 to vector<16xi32>
      %ge3A_198 = arith.cmpi sge, %add3A_195, %ge3A_197 : vector<16xi32>
      %and3A_199 = arith.andi %lt3A_194, %ge3A_198 : vector<16xi1>
      %add3A_200 = arith.constant 176 : i32
      %add3A_201 = vector.broadcast %add3A_200 : i32 to vector<16xi32>
      %add3A_202 = arith.addi %add3A_201, %iota3A : vector<16xi32>
      %jit3A_203 = arith.constant 0 : i32
      %broadcast_in_dim3A_204 = vector.broadcast %jit3A_203 : i32 to vector<16xi32>
      %select_n3A_205 = arith.select %and3A_199, %add3A_202, %broadcast_in_dim3A_204 : vector<16xi1>, vector<16xi32>
      %add3A_206 = arith.addi %add3A_169, %select_n3A_205 : vector<16xi32>
      %jit3A_207 = arith.constant 0 : i32
      %broadcast_in_dim3A_208 = vector.broadcast %jit3A_207 : i32 to vector<16xi32>
      %select_n3A_209 = arith.select %and3A_199, %add3A_191, %broadcast_in_dim3A_208 : vector<16xi1>, vector<16xi32>
      %add3A_210 = arith.addi %add3A_173, %select_n3A_209 : vector<16xi32>
      %jit3A_211 = arith.constant 0 : i32
      %broadcast_in_dim3A_212 = vector.broadcast %jit3A_211 : i32 to vector<16xi32>
      %select_n3A_213 = arith.select %and3A_199, %get3A_180, %broadcast_in_dim3A_212 : vector<16xi1>, vector<16xi32>
      %add3A_214 = arith.addi %add3A_177, %select_n3A_213 : vector<16xi32>
      %add3A_215 = arith.addi %add3A_178, %reduce_sum3A_184 : i32
      %get3A_216 = arith.constant 160 : index
      %get3A_217 = tpu.vector_load %arg8[%get3A_216] {strides = array<i32>} : memref<256xi32, #tpu.memory_space<vmem>>, vector<16xi32>,
      %reduce_sum3A_218 = arith.constant true
      %reduce_sum3A_219 = vector.broadcast %reduce_sum3A_218 : i1 to vector<16xi1>
      %reduce_sum3A_220 = tpu.scan <sum>, %get3A_217 masked %reduce_sum3A_219 : vector<16xi32>, vector<16xi1> -> vector<16xi32>
      %reduce_sum3A_221 = vector.extract %reduce_sum3A_220[15] : i32 from vector<16xi32>
      %broadcast_in_dim3A_222 = arith.constant true
      %broadcast_in_dim3A_223 = vector.broadcast %broadcast_in_dim3A_222 : i1 to vector<16xi1>
      %masked_cumsum3A_224 = tpu.scan <sum>, %get3A_217 masked %broadcast_in_dim3A_223 : vector<16xi32>, vector<16xi1> -> vector<16xi32>
      %sub3A_225 = vector.broadcast %reduce_sum3A_221 : i32 to vector<16xi32>
      %sub3A_226 = arith.subi %sub3A_225, %masked_cumsum3A_224 : vector<16xi32>
      %add3A_227 = vector.broadcast %add3A_215 : i32 to vector<16xi32>
      %add3A_228 = arith.addi %add3A_227, %sub3A_226 : vector<16xi32>
      %lt3A_229 = arith.constant 16384 : i32
      %lt3A_230 = vector.broadcast %lt3A_229 : i32 to vector<16xi32>
      %lt3A_231 = arith.cmpi slt, %add3A_228, %lt3A_230 : vector<16xi32>
      %add3A_232 = arith.addi %add3A_228, %get3A_217 : vector<16xi32>
      %ge3A_233 = arith.constant 16384 : i32
      %ge3A_234 = vector.broadcast %ge3A_233 : i32 to vector<16xi32>
      %ge3A_235 = arith.cmpi sge, %add3A_232, %ge3A_234 : vector<16xi32>
      %and3A_236 = arith.andi %lt3A_231, %ge3A_235 : vector<16xi1>
      %add3A_237 = arith.constant 160 : i32
      %add3A_238 = vector.broadcast %add3A_237 : i32 to vector<16xi32>
      %add3A_239 = arith.addi %add3A_238, %iota3A : vector<16xi32>
      %jit3A_240 = arith.constant 0 : i32
      %broadcast_in_dim3A_241 = vector.broadcast %jit3A_240 : i32 to vector<16xi32>
      %select_n3A_242 = arith.select %and3A_236, %add3A_239, %broadcast_in_dim3A_241 : vector<16xi1>, vector<16xi32>
      %add3A_243 = arith.addi %add3A_206, %select_n3A_242 : vector<16xi32>
      %jit3A_244 = arith.constant 0 : i32
      %broadcast_in_dim3A_245 = vector.broadcast %jit3A_244 : i32 to vector<16xi32>
      %select_n3A_246 = arith.select %and3A_236, %add3A_228, %broadcast_in_dim3A_245 : vector<16xi1>, vector<16xi32>
      %add3A_247 = arith.addi %add3A_210, %select_n3A_246 : vector<16xi32>
      %jit3A_248 = arith.constant 0 : i32
      %broadcast_in_dim3A_249 = vector.broadcast %jit3A_248 : i32 to vector<16xi32>
      %select_n3A_250 = arith.select %and3A_236, %get3A_217, %broadcast_in_dim3A_249 : vector<16xi1>, vector<16xi32>
      %add3A_251 = arith.addi %add3A_214, %select_n3A_250 : vector<16xi32>
      %add3A_252 = arith.addi %add3A_215, %reduce_sum3A_221 : i32
      %get3A_253 = arith.constant 144 : index
      %get3A_254 = tpu.vector_load %arg8[%get3A_253] {strides = array<i32>} : memref<256xi32, #tpu.memory_space<vmem>>, vector<16xi32>,
      %reduce_sum3A_255 = arith.constant true
      %reduce_sum3A_256 = vector.broadcast %reduce_sum3A_255 : i1 to vector<16xi1>
      %reduce_sum3A_257 = tpu.scan <sum>, %get3A_254 masked %reduce_sum3A_256 : vector<16xi32>, vector<16xi1> -> vector<16xi32>
      %reduce_sum3A_258 = vector.extract %reduce_sum3A_257[15] : i32 from vector<16xi32>
      %broadcast_in_dim3A_259 = arith.constant true
      %broadcast_in_dim3A_260 = vector.broadcast %broadcast_in_dim3A_259 : i1 to vector<16xi1>
      %masked_cumsum3A_261 = tpu.scan <sum>, %get3A_254 masked %broadcast_in_dim3A_260 : vector<16xi32>, vector<16xi1> -> vector<16xi32>
      %sub3A_262 = vector.broadcast %reduce_sum3A_258 : i32 to vector<16xi32>
      %sub3A_263 = arith.subi %sub3A_262, %masked_cumsum3A_261 : vector<16xi32>
      %add3A_264 = vector.broadcast %add3A_252 : i32 to vector<16xi32>
      %add3A_265 = arith.addi %add3A_264, %sub3A_263 : vector<16xi32>
      %lt3A_266 = arith.constant 16384 : i32
      %lt3A_267 = vector.broadcast %lt3A_266 : i32 to vector<16xi32>
      %lt3A_268 = arith.cmpi slt, %add3A_265, %lt3A_267 : vector<16xi32>
      %add3A_269 = arith.addi %add3A_265, %get3A_254 : vector<16xi32>
      %ge3A_270 = arith.constant 16384 : i32
      %ge3A_271 = vector.broadcast %ge3A_270 : i32 to vector<16xi32>
      %ge3A_272 = arith.cmpi sge, %add3A_269, %ge3A_271 : vector<16xi32>
      %and3A_273 = arith.andi %lt3A_268, %ge3A_272 : vector<16xi1>
      %add3A_274 = arith.constant 144 : i32
      %add3A_275 = vector.broadcast %add3A_274 : i32 to vector<16xi32>
      %add3A_276 = arith.addi %add3A_275, %iota3A : vector<16xi32>
      %jit3A_277 = arith.constant 0 : i32
      %broadcast_in_dim3A_278 = vector.broadcast %jit3A_277 : i32 to vector<16xi32>
      %select_n3A_279 = arith.select %and3A_273, %add3A_276, %broadcast_in_dim3A_278 : vector<16xi1>, vector<16xi32>
      %add3A_280 = arith.addi %add3A_243, %select_n3A_279 : vector<16xi32>
      %jit3A_281 = arith.constant 0 : i32
      %broadcast_in_dim3A_282 = vector.broadcast %jit3A_281 : i32 to vector<16xi32>
      %select_n3A_283 = arith.select %and3A_273, %add3A_265, %broadcast_in_dim3A_282 : vector<16xi1>, vector<16xi32>
      %add3A_284 = arith.addi %add3A_247, %select_n3A_283 : vector<16xi32>
      %jit3A_285 = arith.constant 0 : i32
      %broadcast_in_dim3A_286 = vector.broadcast %jit3A_285 : i32 to vector<16xi32>
      %select_n3A_287 = arith.select %and3A_273, %get3A_254, %broadcast_in_dim3A_286 : vector<16xi1>, vector<16xi32>
      %add3A_288 = arith.addi %add3A_251, %select_n3A_287 : vector<16xi32>
      %add3A_289 = arith.addi %add3A_252, %reduce_sum3A_258 : i32
      %get3A_290 = arith.constant 128 : index
      %get3A_291 = tpu.vector_load %arg8[%get3A_290] {strides = array<i32>} : memref<256xi32, #tpu.memory_space<vmem>>, vector<16xi32>,
      %reduce_sum3A_292 = arith.constant true
      %reduce_sum3A_293 = vector.broadcast %reduce_sum3A_292 : i1 to vector<16xi1>
      %reduce_sum3A_294 = tpu.scan <sum>, %get3A_291 masked %reduce_sum3A_293 : vector<16xi32>, vector<16xi1> -> vector<16xi32>
      %reduce_sum3A_295 = vector.extract %reduce_sum3A_294[15] : i32 from vector<16xi32>
      %broadcast_in_dim3A_296 = arith.constant true
      %broadcast_in_dim3A_297 = vector.broadcast %broadcast_in_dim3A_296 : i1 to vector<16xi1>
      %masked_cumsum3A_298 = tpu.scan <sum>, %get3A_291 masked %broadcast_in_dim3A_297 : vector<16xi32>, vector<16xi1> -> vector<16xi32>
      %sub3A_299 = vector.broadcast %reduce_sum3A_295 : i32 to vector<16xi32>
      %sub3A_300 = arith.subi %sub3A_299, %masked_cumsum3A_298 : vector<16xi32>
      %add3A_301 = vector.broadcast %add3A_289 : i32 to vector<16xi32>
      %add3A_302 = arith.addi %add3A_301, %sub3A_300 : vector<16xi32>
      %lt3A_303 = arith.constant 16384 : i32
      %lt3A_304 = vector.broadcast %lt3A_303 : i32 to vector<16xi32>
      %lt3A_305 = arith.cmpi slt, %add3A_302, %lt3A_304 : vector<16xi32>
      %add3A_306 = arith.addi %add3A_302, %get3A_291 : vector<16xi32>
      %ge3A_307 = arith.constant 16384 : i32
      %ge3A_308 = vector.broadcast %ge3A_307 : i32 to vector<16xi32>
      %ge3A_309 = arith.cmpi sge, %add3A_306, %ge3A_308 : vector<16xi32>
      %and3A_310 = arith.andi %lt3A_305, %ge3A_309 : vector<16xi1>
      %add3A_311 = arith.constant 128 : i32
      %add3A_312 = vector.broadcast %add3A_311 : i32 to vector<16xi32>
      %add3A_313 = arith.addi %add3A_312, %iota3A : vector<16xi32>
      %jit3A_314 = arith.constant 0 : i32
      %broadcast_in_dim3A_315 = vector.broadcast %jit3A_314 : i32 to vector<16xi32>
      %select_n3A_316 = arith.select %and3A_310, %add3A_313, %broadcast_in_dim3A_315 : vector<16xi1>, vector<16xi32>
      %add3A_317 = arith.addi %add3A_280, %select_n3A_316 : vector<16xi32>
      %jit3A_318 = arith.constant 0 : i32
      %broadcast_in_dim3A_319 = vector.broadcast %jit3A_318 : i32 to vector<16xi32>
      %select_n3A_320 = arith.select %and3A_310, %add3A_302, %broadcast_in_dim3A_319 : vector<16xi1>, vector<16xi32>
      %add3A_321 = arith.addi %add3A_284, %select_n3A_320 : vector<16xi32>
      %jit3A_322 = arith.constant 0 : i32
      %broadcast_in_dim3A_323 = vector.broadcast %jit3A_322 : i32 to vector<16xi32>
      %select_n3A_324 = arith.select %and3A_310, %get3A_291, %broadcast_in_dim3A_323 : vector<16xi1>, vector<16xi32>
      %add3A_325 = arith.addi %add3A_288, %select_n3A_324 : vector<16xi32>
      %add3A_326 = arith.addi %add3A_289, %reduce_sum3A_295 : i32
      %get3A_327 = arith.constant 112 : index
      %get3A_328 = tpu.vector_load %arg8[%get3A_327] {strides = array<i32>} : memref<256xi32, #tpu.memory_space<vmem>>, vector<16xi32>,
      %reduce_sum3A_329 = arith.constant true
      %reduce_sum3A_330 = vector.broadcast %reduce_sum3A_329 : i1 to vector<16xi1>
      %reduce_sum3A_331 = tpu.scan <sum>, %get3A_328 masked %reduce_sum3A_330 : vector<16xi32>, vector<16xi1> -> vector<16xi32>
      %reduce_sum3A_332 = vector.extract %reduce_sum3A_331[15] : i32 from vector<16xi32>
      %broadcast_in_dim3A_333 = arith.constant true
      %broadcast_in_dim3A_334 = vector.broadcast %broadcast_in_dim3A_333 : i1 to vector<16xi1>
      %masked_cumsum3A_335 = tpu.scan <sum>, %get3A_328 masked %broadcast_in_dim3A_334 : vector<16xi32>, vector<16xi1> -> vector<16xi32>
      %sub3A_336 = vector.broadcast %reduce_sum3A_332 : i32 to vector<16xi32>
      %sub3A_337 = arith.subi %sub3A_336, %masked_cumsum3A_335 : vector<16xi32>
      %add3A_338 = vector.broadcast %add3A_326 : i32 to vector<16xi32>
      %add3A_339 = arith.addi %add3A_338, %sub3A_337 : vector<16xi32>
      %lt3A_340 = arith.constant 16384 : i32
      %lt3A_341 = vector.broadcast %lt3A_340 : i32 to vector<16xi32>
      %lt3A_342 = arith.cmpi slt, %add3A_339, %lt3A_341 : vector<16xi32>
      %add3A_343 = arith.addi %add3A_339, %get3A_328 : vector<16xi32>
      %ge3A_344 = arith.constant 16384 : i32
      %ge3A_345 = vector.broadcast %ge3A_344 : i32 to vector<16xi32>
      %ge3A_346 = arith.cmpi sge, %add3A_343, %ge3A_345 : vector<16xi32>
      %and3A_347 = arith.andi %lt3A_342, %ge3A_346 : vector<16xi1>
      %add3A_348 = arith.constant 112 : i32
      %add3A_349 = vector.broadcast %add3A_348 : i32 to vector<16xi32>
      %add3A_350 = arith.addi %add3A_349, %iota3A : vector<16xi32>
      %jit3A_351 = arith.constant 0 : i32
      %broadcast_in_dim3A_352 = vector.broadcast %jit3A_351 : i32 to vector<16xi32>
      %select_n3A_353 = arith.select %and3A_347, %add3A_350, %broadcast_in_dim3A_352 : vector<16xi1>, vector<16xi32>
      %add3A_354 = arith.addi %add3A_317, %select_n3A_353 : vector<16xi32>
      %jit3A_355 = arith.constant 0 : i32
      %broadcast_in_dim3A_356 = vector.broadcast %jit3A_355 : i32 to vector<16xi32>
      %select_n3A_357 = arith.select %and3A_347, %add3A_339, %broadcast_in_dim3A_356 : vector<16xi1>, vector<16xi32>
      %add3A_358 = arith.addi %add3A_321, %select_n3A_357 : vector<16xi32>
      %jit3A_359 = arith.constant 0 : i32
      %broadcast_in_dim3A_360 = vector.broadcast %jit3A_359 : i32 to vector<16xi32>
      %select_n3A_361 = arith.select %and3A_347, %get3A_328, %broadcast_in_dim3A_360 : vector<16xi1>, vector<16xi32>
      %add3A_362 = arith.addi %add3A_325, %select_n3A_361 : vector<16xi32>
      %add3A_363 = arith.addi %add3A_326, %reduce_sum3A_332 : i32
      %get3A_364 = arith.constant 96 : index
      %get3A_365 = tpu.vector_load %arg8[%get3A_364] {strides = array<i32>} : memref<256xi32, #tpu.memory_space<vmem>>, vector<16xi32>,
      %reduce_sum3A_366 = arith.constant true
      %reduce_sum3A_367 = vector.broadcast %reduce_sum3A_366 : i1 to vector<16xi1>
      %reduce_sum3A_368 = tpu.scan <sum>, %get3A_365 masked %reduce_sum3A_367 : vector<16xi32>, vector<16xi1> -> vector<16xi32>
      %reduce_sum3A_369 = vector.extract %reduce_sum3A_368[15] : i32 from vector<16xi32>
      %broadcast_in_dim3A_370 = arith.constant true
      %broadcast_in_dim3A_371 = vector.broadcast %broadcast_in_dim3A_370 : i1 to vector<16xi1>
      %masked_cumsum3A_372 = tpu.scan <sum>, %get3A_365 masked %broadcast_in_dim3A_371 : vector<16xi32>, vector<16xi1> -> vector<16xi32>
      %sub3A_373 = vector.broadcast %reduce_sum3A_369 : i32 to vector<16xi32>
      %sub3A_374 = arith.subi %sub3A_373, %masked_cumsum3A_372 : vector<16xi32>
      %add3A_375 = vector.broadcast %add3A_363 : i32 to vector<16xi32>
      %add3A_376 = arith.addi %add3A_375, %sub3A_374 : vector<16xi32>
      %lt3A_377 = arith.constant 16384 : i32
      %lt3A_378 = vector.broadcast %lt3A_377 : i32 to vector<16xi32>
      %lt3A_379 = arith.cmpi slt, %add3A_376, %lt3A_378 : vector<16xi32>
      %add3A_380 = arith.addi %add3A_376, %get3A_365 : vector<16xi32>
      %ge3A_381 = arith.constant 16384 : i32
      %ge3A_382 = vector.broadcast %ge3A_381 : i32 to vector<16xi32>
      %ge3A_383 = arith.cmpi sge, %add3A_380, %ge3A_382 : vector<16xi32>
      %and3A_384 = arith.andi %lt3A_379, %ge3A_383 : vector<16xi1>
      %add3A_385 = arith.constant 96 : i32
      %add3A_386 = vector.broadcast %add3A_385 : i32 to vector<16xi32>
      %add3A_387 = arith.addi %add3A_386, %iota3A : vector<16xi32>
      %jit3A_388 = arith.constant 0 : i32
      %broadcast_in_dim3A_389 = vector.broadcast %jit3A_388 : i32 to vector<16xi32>
      %select_n3A_390 = arith.select %and3A_384, %add3A_387, %broadcast_in_dim3A_389 : vector<16xi1>, vector<16xi32>
      %add3A_391 = arith.addi %add3A_354, %select_n3A_390 : vector<16xi32>
      %jit3A_392 = arith.constant 0 : i32
      %broadcast_in_dim3A_393 = vector.broadcast %jit3A_392 : i32 to vector<16xi32>
      %select_n3A_394 = arith.select %and3A_384, %add3A_376, %broadcast_in_dim3A_393 : vector<16xi1>, vector<16xi32>
      %add3A_395 = arith.addi %add3A_358, %select_n3A_394 : vector<16xi32>
      %jit3A_396 = arith.constant 0 : i32
      %broadcast_in_dim3A_397 = vector.broadcast %jit3A_396 : i32 to vector<16xi32>
      %select_n3A_398 = arith.select %and3A_384, %get3A_365, %broadcast_in_dim3A_397 : vector<16xi1>, vector<16xi32>
      %add3A_399 = arith.addi %add3A_362, %select_n3A_398 : vector<16xi32>
      %add3A_400 = arith.addi %add3A_363, %reduce_sum3A_369 : i32
      %get3A_401 = arith.constant 80 : index
      %get3A_402 = tpu.vector_load %arg8[%get3A_401] {strides = array<i32>} : memref<256xi32, #tpu.memory_space<vmem>>, vector<16xi32>,
      %reduce_sum3A_403 = arith.constant true
      %reduce_sum3A_404 = vector.broadcast %reduce_sum3A_403 : i1 to vector<16xi1>
      %reduce_sum3A_405 = tpu.scan <sum>, %get3A_402 masked %reduce_sum3A_404 : vector<16xi32>, vector<16xi1> -> vector<16xi32>
      %reduce_sum3A_406 = vector.extract %reduce_sum3A_405[15] : i32 from vector<16xi32>
      %broadcast_in_dim3A_407 = arith.constant true
      %broadcast_in_dim3A_408 = vector.broadcast %broadcast_in_dim3A_407 : i1 to vector<16xi1>
      %masked_cumsum3A_409 = tpu.scan <sum>, %get3A_402 masked %broadcast_in_dim3A_408 : vector<16xi32>, vector<16xi1> -> vector<16xi32>
      %sub3A_410 = vector.broadcast %reduce_sum3A_406 : i32 to vector<16xi32>
      %sub3A_411 = arith.subi %sub3A_410, %masked_cumsum3A_409 : vector<16xi32>
      %add3A_412 = vector.broadcast %add3A_400 : i32 to vector<16xi32>
      %add3A_413 = arith.addi %add3A_412, %sub3A_411 : vector<16xi32>
      %lt3A_414 = arith.constant 16384 : i32
      %lt3A_415 = vector.broadcast %lt3A_414 : i32 to vector<16xi32>
      %lt3A_416 = arith.cmpi slt, %add3A_413, %lt3A_415 : vector<16xi32>
      %add3A_417 = arith.addi %add3A_413, %get3A_402 : vector<16xi32>
      %ge3A_418 = arith.constant 16384 : i32
      %ge3A_419 = vector.broadcast %ge3A_418 : i32 to vector<16xi32>
      %ge3A_420 = arith.cmpi sge, %add3A_417, %ge3A_419 : vector<16xi32>
      %and3A_421 = arith.andi %lt3A_416, %ge3A_420 : vector<16xi1>
      %add3A_422 = arith.constant 80 : i32
      %add3A_423 = vector.broadcast %add3A_422 : i32 to vector<16xi32>
      %add3A_424 = arith.addi %add3A_423, %iota3A : vector<16xi32>
      %jit3A_425 = arith.constant 0 : i32
      %broadcast_in_dim3A_426 = vector.broadcast %jit3A_425 : i32 to vector<16xi32>
      %select_n3A_427 = arith.select %and3A_421, %add3A_424, %broadcast_in_dim3A_426 : vector<16xi1>, vector<16xi32>
      %add3A_428 = arith.addi %add3A_391, %select_n3A_427 : vector<16xi32>
      %jit3A_429 = arith.constant 0 : i32
      %broadcast_in_dim3A_430 = vector.broadcast %jit3A_429 : i32 to vector<16xi32>
      %select_n3A_431 = arith.select %and3A_421, %add3A_413, %broadcast_in_dim3A_430 : vector<16xi1>, vector<16xi32>
      %add3A_432 = arith.addi %add3A_395, %select_n3A_431 : vector<16xi32>
      %jit3A_433 = arith.constant 0 : i32
      %broadcast_in_dim3A_434 = vector.broadcast %jit3A_433 : i32 to vector<16xi32>
      %select_n3A_435 = arith.select %and3A_421, %get3A_402, %broadcast_in_dim3A_434 : vector<16xi1>, vector<16xi32>
      %add3A_436 = arith.addi %add3A_399, %select_n3A_435 : vector<16xi32>
      %add3A_437 = arith.addi %add3A_400, %reduce_sum3A_406 : i32
      %get3A_438 = arith.constant 64 : index
      %get3A_439 = tpu.vector_load %arg8[%get3A_438] {strides = array<i32>} : memref<256xi32, #tpu.memory_space<vmem>>, vector<16xi32>,
      %reduce_sum3A_440 = arith.constant true
      %reduce_sum3A_441 = vector.broadcast %reduce_sum3A_440 : i1 to vector<16xi1>
      %reduce_sum3A_442 = tpu.scan <sum>, %get3A_439 masked %reduce_sum3A_441 : vector<16xi32>, vector<16xi1> -> vector<16xi32>
      %reduce_sum3A_443 = vector.extract %reduce_sum3A_442[15] : i32 from vector<16xi32>
      %broadcast_in_dim3A_444 = arith.constant true
      %broadcast_in_dim3A_445 = vector.broadcast %broadcast_in_dim3A_444 : i1 to vector<16xi1>
      %masked_cumsum3A_446 = tpu.scan <sum>, %get3A_439 masked %broadcast_in_dim3A_445 : vector<16xi32>, vector<16xi1> -> vector<16xi32>
      %sub3A_447 = vector.broadcast %reduce_sum3A_443 : i32 to vector<16xi32>
      %sub3A_448 = arith.subi %sub3A_447, %masked_cumsum3A_446 : vector<16xi32>
      %add3A_449 = vector.broadcast %add3A_437 : i32 to vector<16xi32>
      %add3A_450 = arith.addi %add3A_449, %sub3A_448 : vector<16xi32>
      %lt3A_451 = arith.constant 16384 : i32
      %lt3A_452 = vector.broadcast %lt3A_451 : i32 to vector<16xi32>
      %lt3A_453 = arith.cmpi slt, %add3A_450, %lt3A_452 : vector<16xi32>
      %add3A_454 = arith.addi %add3A_450, %get3A_439 : vector<16xi32>
      %ge3A_455 = arith.constant 16384 : i32
      %ge3A_456 = vector.broadcast %ge3A_455 : i32 to vector<16xi32>
      %ge3A_457 = arith.cmpi sge, %add3A_454, %ge3A_456 : vector<16xi32>
      %and3A_458 = arith.andi %lt3A_453, %ge3A_457 : vector<16xi1>
      %add3A_459 = arith.constant 64 : i32
      %add3A_460 = vector.broadcast %add3A_459 : i32 to vector<16xi32>
      %add3A_461 = arith.addi %add3A_460, %iota3A : vector<16xi32>
      %jit3A_462 = arith.constant 0 : i32
      %broadcast_in_dim3A_463 = vector.broadcast %jit3A_462 : i32 to vector<16xi32>
      %select_n3A_464 = arith.select %and3A_458, %add3A_461, %broadcast_in_dim3A_463 : vector<16xi1>, vector<16xi32>
      %add3A_465 = arith.addi %add3A_428, %select_n3A_464 : vector<16xi32>
      %jit3A_466 = arith.constant 0 : i32
      %broadcast_in_dim3A_467 = vector.broadcast %jit3A_466 : i32 to vector<16xi32>
      %select_n3A_468 = arith.select %and3A_458, %add3A_450, %broadcast_in_dim3A_467 : vector<16xi1>, vector<16xi32>
      %add3A_469 = arith.addi %add3A_432, %select_n3A_468 : vector<16xi32>
      %jit3A_470 = arith.constant 0 : i32
      %broadcast_in_dim3A_471 = vector.broadcast %jit3A_470 : i32 to vector<16xi32>
      %select_n3A_472 = arith.select %and3A_458, %get3A_439, %broadcast_in_dim3A_471 : vector<16xi1>, vector<16xi32>
      %add3A_473 = arith.addi %add3A_436, %select_n3A_472 : vector<16xi32>
      %add3A_474 = arith.addi %add3A_437, %reduce_sum3A_443 : i32
      %get3A_475 = arith.constant 48 : index
      %get3A_476 = tpu.vector_load %arg8[%get3A_475] {strides = array<i32>} : memref<256xi32, #tpu.memory_space<vmem>>, vector<16xi32>,
      %reduce_sum3A_477 = arith.constant true
      %reduce_sum3A_478 = vector.broadcast %reduce_sum3A_477 : i1 to vector<16xi1>
      %reduce_sum3A_479 = tpu.scan <sum>, %get3A_476 masked %reduce_sum3A_478 : vector<16xi32>, vector<16xi1> -> vector<16xi32>
      %reduce_sum3A_480 = vector.extract %reduce_sum3A_479[15] : i32 from vector<16xi32>
      %broadcast_in_dim3A_481 = arith.constant true
      %broadcast_in_dim3A_482 = vector.broadcast %broadcast_in_dim3A_481 : i1 to vector<16xi1>
      %masked_cumsum3A_483 = tpu.scan <sum>, %get3A_476 masked %broadcast_in_dim3A_482 : vector<16xi32>, vector<16xi1> -> vector<16xi32>
      %sub3A_484 = vector.broadcast %reduce_sum3A_480 : i32 to vector<16xi32>
      %sub3A_485 = arith.subi %sub3A_484, %masked_cumsum3A_483 : vector<16xi32>
      %add3A_486 = vector.broadcast %add3A_474 : i32 to vector<16xi32>
      %add3A_487 = arith.addi %add3A_486, %sub3A_485 : vector<16xi32>
      %lt3A_488 = arith.constant 16384 : i32
      %lt3A_489 = vector.broadcast %lt3A_488 : i32 to vector<16xi32>
      %lt3A_490 = arith.cmpi slt, %add3A_487, %lt3A_489 : vector<16xi32>
      %add3A_491 = arith.addi %add3A_487, %get3A_476 : vector<16xi32>
      %ge3A_492 = arith.constant 16384 : i32
      %ge3A_493 = vector.broadcast %ge3A_492 : i32 to vector<16xi32>
      %ge3A_494 = arith.cmpi sge, %add3A_491, %ge3A_493 : vector<16xi32>
      %and3A_495 = arith.andi %lt3A_490, %ge3A_494 : vector<16xi1>
      %add3A_496 = arith.constant 48 : i32
      %add3A_497 = vector.broadcast %add3A_496 : i32 to vector<16xi32>
      %add3A_498 = arith.addi %add3A_497, %iota3A : vector<16xi32>
      %jit3A_499 = arith.constant 0 : i32
      %broadcast_in_dim3A_500 = vector.broadcast %jit3A_499 : i32 to vector<16xi32>
      %select_n3A_501 = arith.select %and3A_495, %add3A_498, %broadcast_in_dim3A_500 : vector<16xi1>, vector<16xi32>
      %add3A_502 = arith.addi %add3A_465, %select_n3A_501 : vector<16xi32>
      %jit3A_503 = arith.constant 0 : i32
      %broadcast_in_dim3A_504 = vector.broadcast %jit3A_503 : i32 to vector<16xi32>
      %select_n3A_505 = arith.select %and3A_495, %add3A_487, %broadcast_in_dim3A_504 : vector<16xi1>, vector<16xi32>
      %add3A_506 = arith.addi %add3A_469, %select_n3A_505 : vector<16xi32>
      %jit3A_507 = arith.constant 0 : i32
      %broadcast_in_dim3A_508 = vector.broadcast %jit3A_507 : i32 to vector<16xi32>
      %select_n3A_509 = arith.select %and3A_495, %get3A_476, %broadcast_in_dim3A_508 : vector<16xi1>, vector<16xi32>
      %add3A_510 = arith.addi %add3A_473, %select_n3A_509 : vector<16xi32>
      %add3A_511 = arith.addi %add3A_474, %reduce_sum3A_480 : i32
      %get3A_512 = arith.constant 32 : index
      %get3A_513 = tpu.vector_load %arg8[%get3A_512] {strides = array<i32>} : memref<256xi32, #tpu.memory_space<vmem>>, vector<16xi32>,
      %reduce_sum3A_514 = arith.constant true
      %reduce_sum3A_515 = vector.broadcast %reduce_sum3A_514 : i1 to vector<16xi1>
      %reduce_sum3A_516 = tpu.scan <sum>, %get3A_513 masked %reduce_sum3A_515 : vector<16xi32>, vector<16xi1> -> vector<16xi32>
      %reduce_sum3A_517 = vector.extract %reduce_sum3A_516[15] : i32 from vector<16xi32>
      %broadcast_in_dim3A_518 = arith.constant true
      %broadcast_in_dim3A_519 = vector.broadcast %broadcast_in_dim3A_518 : i1 to vector<16xi1>
      %masked_cumsum3A_520 = tpu.scan <sum>, %get3A_513 masked %broadcast_in_dim3A_519 : vector<16xi32>, vector<16xi1> -> vector<16xi32>
      %sub3A_521 = vector.broadcast %reduce_sum3A_517 : i32 to vector<16xi32>
      %sub3A_522 = arith.subi %sub3A_521, %masked_cumsum3A_520 : vector<16xi32>
      %add3A_523 = vector.broadcast %add3A_511 : i32 to vector<16xi32>
      %add3A_524 = arith.addi %add3A_523, %sub3A_522 : vector<16xi32>
      %lt3A_525 = arith.constant 16384 : i32
      %lt3A_526 = vector.broadcast %lt3A_525 : i32 to vector<16xi32>
      %lt3A_527 = arith.cmpi slt, %add3A_524, %lt3A_526 : vector<16xi32>
      %add3A_528 = arith.addi %add3A_524, %get3A_513 : vector<16xi32>
      %ge3A_529 = arith.constant 16384 : i32
      %ge3A_530 = vector.broadcast %ge3A_529 : i32 to vector<16xi32>
      %ge3A_531 = arith.cmpi sge, %add3A_528, %ge3A_530 : vector<16xi32>
      %and3A_532 = arith.andi %lt3A_527, %ge3A_531 : vector<16xi1>
      %add3A_533 = arith.constant 32 : i32
      %add3A_534 = vector.broadcast %add3A_533 : i32 to vector<16xi32>
      %add3A_535 = arith.addi %add3A_534, %iota3A : vector<16xi32>
      %jit3A_536 = arith.constant 0 : i32
      %broadcast_in_dim3A_537 = vector.broadcast %jit3A_536 : i32 to vector<16xi32>
      %select_n3A_538 = arith.select %and3A_532, %add3A_535, %broadcast_in_dim3A_537 : vector<16xi1>, vector<16xi32>
      %add3A_539 = arith.addi %add3A_502, %select_n3A_538 : vector<16xi32>
      %jit3A_540 = arith.constant 0 : i32
      %broadcast_in_dim3A_541 = vector.broadcast %jit3A_540 : i32 to vector<16xi32>
      %select_n3A_542 = arith.select %and3A_532, %add3A_524, %broadcast_in_dim3A_541 : vector<16xi1>, vector<16xi32>
      %add3A_543 = arith.addi %add3A_506, %select_n3A_542 : vector<16xi32>
      %jit3A_544 = arith.constant 0 : i32
      %broadcast_in_dim3A_545 = vector.broadcast %jit3A_544 : i32 to vector<16xi32>
      %select_n3A_546 = arith.select %and3A_532, %get3A_513, %broadcast_in_dim3A_545 : vector<16xi1>, vector<16xi32>
      %add3A_547 = arith.addi %add3A_510, %select_n3A_546 : vector<16xi32>
      %add3A_548 = arith.addi %add3A_511, %reduce_sum3A_517 : i32
      %get3A_549 = arith.constant 16 : index
      %get3A_550 = tpu.vector_load %arg8[%get3A_549] {strides = array<i32>} : memref<256xi32, #tpu.memory_space<vmem>>, vector<16xi32>,
      %reduce_sum3A_551 = arith.constant true
      %reduce_sum3A_552 = vector.broadcast %reduce_sum3A_551 : i1 to vector<16xi1>
      %reduce_sum3A_553 = tpu.scan <sum>, %get3A_550 masked %reduce_sum3A_552 : vector<16xi32>, vector<16xi1> -> vector<16xi32>
      %reduce_sum3A_554 = vector.extract %reduce_sum3A_553[15] : i32 from vector<16xi32>
      %broadcast_in_dim3A_555 = arith.constant true
      %broadcast_in_dim3A_556 = vector.broadcast %broadcast_in_dim3A_555 : i1 to vector<16xi1>
      %masked_cumsum3A_557 = tpu.scan <sum>, %get3A_550 masked %broadcast_in_dim3A_556 : vector<16xi32>, vector<16xi1> -> vector<16xi32>
      %sub3A_558 = vector.broadcast %reduce_sum3A_554 : i32 to vector<16xi32>
      %sub3A_559 = arith.subi %sub3A_558, %masked_cumsum3A_557 : vector<16xi32>
      %add3A_560 = vector.broadcast %add3A_548 : i32 to vector<16xi32>
      %add3A_561 = arith.addi %add3A_560, %sub3A_559 : vector<16xi32>
      %lt3A_562 = arith.constant 16384 : i32
      %lt3A_563 = vector.broadcast %lt3A_562 : i32 to vector<16xi32>
      %lt3A_564 = arith.cmpi slt, %add3A_561, %lt3A_563 : vector<16xi32>
      %add3A_565 = arith.addi %add3A_561, %get3A_550 : vector<16xi32>
      %ge3A_566 = arith.constant 16384 : i32
      %ge3A_567 = vector.broadcast %ge3A_566 : i32 to vector<16xi32>
      %ge3A_568 = arith.cmpi sge, %add3A_565, %ge3A_567 : vector<16xi32>
      %and3A_569 = arith.andi %lt3A_564, %ge3A_568 : vector<16xi1>
      %add3A_570 = arith.constant 16 : i32
      %add3A_571 = vector.broadcast %add3A_570 : i32 to vector<16xi32>
      %add3A_572 = arith.addi %add3A_571, %iota3A : vector<16xi32>
      %jit3A_573 = arith.constant 0 : i32
      %broadcast_in_dim3A_574 = vector.broadcast %jit3A_573 : i32 to vector<16xi32>
      %select_n3A_575 = arith.select %and3A_569, %add3A_572, %broadcast_in_dim3A_574 : vector<16xi1>, vector<16xi32>
      %add3A_576 = arith.addi %add3A_539, %select_n3A_575 : vector<16xi32>
      %jit3A_577 = arith.constant 0 : i32
      %broadcast_in_dim3A_578 = vector.broadcast %jit3A_577 : i32 to vector<16xi32>
      %select_n3A_579 = arith.select %and3A_569, %add3A_561, %broadcast_in_dim3A_578 : vector<16xi1>, vector<16xi32>
      %add3A_580 = arith.addi %add3A_543, %select_n3A_579 : vector<16xi32>
      %jit3A_581 = arith.constant 0 : i32
      %broadcast_in_dim3A_582 = vector.broadcast %jit3A_581 : i32 to vector<16xi32>
      %select_n3A_583 = arith.select %and3A_569, %get3A_550, %broadcast_in_dim3A_582 : vector<16xi1>, vector<16xi32>
      %add3A_584 = arith.addi %add3A_547, %select_n3A_583 : vector<16xi32>
      %add3A_585 = arith.addi %add3A_548, %reduce_sum3A_554 : i32
      %get3A_586 = arith.constant 0 : index
      %get3A_587 = tpu.vector_load %arg8[%get3A_586] {strides = array<i32>} : memref<256xi32, #tpu.memory_space<vmem>>, vector<16xi32>,
      %reduce_sum3A_588 = arith.constant true
      %reduce_sum3A_589 = vector.broadcast %reduce_sum3A_588 : i1 to vector<16xi1>
      %reduce_sum3A_590 = tpu.scan <sum>, %get3A_587 masked %reduce_sum3A_589 : vector<16xi32>, vector<16xi1> -> vector<16xi32>
      %reduce_sum3A_591 = vector.extract %reduce_sum3A_590[15] : i32 from vector<16xi32>
      %broadcast_in_dim3A_592 = arith.constant true
      %broadcast_in_dim3A_593 = vector.broadcast %broadcast_in_dim3A_592 : i1 to vector<16xi1>
      %masked_cumsum3A_594 = tpu.scan <sum>, %get3A_587 masked %broadcast_in_dim3A_593 : vector<16xi32>, vector<16xi1> -> vector<16xi32>
      %sub3A_595 = vector.broadcast %reduce_sum3A_591 : i32 to vector<16xi32>
      %sub3A_596 = arith.subi %sub3A_595, %masked_cumsum3A_594 : vector<16xi32>
      %add3A_597 = vector.broadcast %add3A_585 : i32 to vector<16xi32>
      %add3A_598 = arith.addi %add3A_597, %sub3A_596 : vector<16xi32>
      %lt3A_599 = arith.constant 16384 : i32
      %lt3A_600 = vector.broadcast %lt3A_599 : i32 to vector<16xi32>
      %lt3A_601 = arith.cmpi slt, %add3A_598, %lt3A_600 : vector<16xi32>
      %add3A_602 = arith.addi %add3A_598, %get3A_587 : vector<16xi32>
      %ge3A_603 = arith.constant 16384 : i32
      %ge3A_604 = vector.broadcast %ge3A_603 : i32 to vector<16xi32>
      %ge3A_605 = arith.cmpi sge, %add3A_602, %ge3A_604 : vector<16xi32>
      %and3A_606 = arith.andi %lt3A_601, %ge3A_605 : vector<16xi1>
      %add3A_607 = arith.constant 0 : i32
      %add3A_608 = vector.broadcast %add3A_607 : i32 to vector<16xi32>
      %add3A_609 = arith.addi %add3A_608, %iota3A : vector<16xi32>
      %jit3A_610 = arith.constant 0 : i32
      %broadcast_in_dim3A_611 = vector.broadcast %jit3A_610 : i32 to vector<16xi32>
      %select_n3A_612 = arith.select %and3A_606, %add3A_609, %broadcast_in_dim3A_611 : vector<16xi1>, vector<16xi32>
      %add3A_613 = arith.addi %add3A_576, %select_n3A_612 : vector<16xi32>
      %jit3A_614 = arith.constant 0 : i32
      %broadcast_in_dim3A_615 = vector.broadcast %jit3A_614 : i32 to vector<16xi32>
      %select_n3A_616 = arith.select %and3A_606, %add3A_598, %broadcast_in_dim3A_615 : vector<16xi1>, vector<16xi32>
      %add3A_617 = arith.addi %add3A_580, %select_n3A_616 : vector<16xi32>
      %jit3A_618 = arith.constant 0 : i32
      %broadcast_in_dim3A_619 = vector.broadcast %jit3A_618 : i32 to vector<16xi32>
      %select_n3A_620 = arith.select %and3A_606, %get3A_587, %broadcast_in_dim3A_619 : vector<16xi1>, vector<16xi32>
      %add3A_621 = arith.addi %add3A_584, %select_n3A_620 : vector<16xi32>
      %add3A_622 = arith.addi %add3A_585, %reduce_sum3A_591 : i32
      %reduce_sum3A_623 = arith.constant true
      %reduce_sum3A_624 = vector.broadcast %reduce_sum3A_623 : i1 to vector<16xi1>
      %reduce_sum3A_625 = tpu.scan <sum>, %add3A_613 masked %reduce_sum3A_624 : vector<16xi32>, vector<16xi1> -> vector<16xi32>
      %reduce_sum3A_626 = vector.extract %reduce_sum3A_625[15] : i32 from vector<16xi32>
      %reduce_sum3A_627 = arith.constant true
      %reduce_sum3A_628 = vector.broadcast %reduce_sum3A_627 : i1 to vector<16xi1>
      %reduce_sum3A_629 = tpu.scan <sum>, %add3A_617 masked %reduce_sum3A_628 : vector<16xi32>, vector<16xi1> -> vector<16xi32>
      %reduce_sum3A_630 = vector.extract %reduce_sum3A_629[15] : i32 from vector<16xi32>
      %reduce_sum3A_631 = arith.constant true
      %reduce_sum3A_632 = vector.broadcast %reduce_sum3A_631 : i1 to vector<16xi1>
      %reduce_sum3A_633 = tpu.scan <sum>, %add3A_621 masked %reduce_sum3A_632 : vector<16xi32>, vector<16xi1> -> vector<16xi32>
      %reduce_sum3A_634 = vector.extract %reduce_sum3A_633[15] : i32 from vector<16xi32>
      %sub3A_635 = arith.constant 128 : i32
      %sub3A_636 = arith.subi %reduce_sum3A_626, %sub3A_635 : i32
      %broadcast_in_dim3A_637 = arith.constant -2147483648 : i32
      %broadcast_in_dim3A_638 = vector.broadcast %broadcast_in_dim3A_637 : i32 to vector<16xi32>
      %parallel_loop3A_639 = arith.constant 0 : i32
      %parallel_loop3A_640 = arith.constant 2048 : i32
      %parallel_loop3A_641 = arith.constant 1 : i32
      %parallel_loop3A_642:2 = scf.for %parallel_loop3A_710 = %parallel_loop3A_639 to %parallel_loop3A_640 step %parallel_loop3A_641 iter_args(%parallel_loop3A_711 = %broadcast_in_dim3A_1, %parallel_loop3A_712 = %broadcast_in_dim3A_638) -> (vector<16xi32>, vector<16xi32>)  : i32 {
        %parallel_loop3A_713 = arith.constant 16 : i32
        %parallel_loop3A_714 = arith.muli %parallel_loop3A_710, %parallel_loop3A_713 : i32
        %parallel_loop3A_715 = arith.index_cast %parallel_loop3A_714 : i32 to index
        %parallel_loop3A_716 = tpu.vector_load %arg5[%parallel_loop3A_715] {strides = array<i32>} : memref<32768xf32, #tpu.memory_space<vmem>>, vector<16xf32>,
        %parallel_loop3A_717 = tpu.bitcast %parallel_loop3A_716 : vector<16xf32> -> vector<16xi32>
        %parallel_loop3A_718 = arith.constant 31 : i32
        %parallel_loop3A_719 = vector.broadcast %parallel_loop3A_718 : i32 to vector<16xi32>
        %parallel_loop3A_720 = arith.shrsi %parallel_loop3A_717, %parallel_loop3A_719 : vector<16xi32>
        %parallel_loop3A_721 = arith.constant 2147483647 : i32
        %parallel_loop3A_722 = vector.broadcast %parallel_loop3A_721 : i32 to vector<16xi32>
        %parallel_loop3A_723 = arith.andi %parallel_loop3A_720, %parallel_loop3A_722 : vector<16xi32>
        %parallel_loop3A_724 = arith.xori %parallel_loop3A_717, %parallel_loop3A_723 : vector<16xi32>
        %parallel_loop3A_725 = arith.constant 24 : i32
        %parallel_loop3A_726 = vector.broadcast %parallel_loop3A_725 : i32 to vector<16xi32>
        %parallel_loop3A_727 = arith.shrsi %parallel_loop3A_724, %parallel_loop3A_726 : vector<16xi32>
        %parallel_loop3A_728 = vector.broadcast %sub3A_636 : i32 to vector<16xi32>
        %parallel_loop3A_729 = arith.cmpi eq, %parallel_loop3A_727, %parallel_loop3A_728 : vector<16xi32>
        %parallel_loop3A_730 = vector.broadcast %sub3A_636 : i32 to vector<16xi32>
        %parallel_loop3A_731 = arith.cmpi slt, %parallel_loop3A_727, %parallel_loop3A_730 : vector<16xi32>
        %parallel_loop3A_732 = arith.constant -2147483648 : i32
        %parallel_loop3A_733 = vector.broadcast %parallel_loop3A_732 : i32 to vector<16xi32>
        %parallel_loop3A_734 = arith.select %parallel_loop3A_731, %parallel_loop3A_724, %parallel_loop3A_733 : vector<16xi1>, vector<16xi32>
        %parallel_loop3A_735 = arith.maxsi %parallel_loop3A_712, %parallel_loop3A_734 : vector<16xi32>
        %parallel_loop3A_736 = arith.constant 16 : i32
        %parallel_loop3A_737 = vector.broadcast %parallel_loop3A_736 : i32 to vector<16xi32>
        %parallel_loop3A_738 = arith.muli %parallel_loop3A_711, %parallel_loop3A_737 : vector<16xi32>
        %parallel_loop3A_739 = arith.addi %parallel_loop3A_738, %iota3A : vector<16xi32>
        tpu.vector_store_idx %arg6[%parallel_loop3A_739], %parallel_loop3A_724 masked %parallel_loop3A_729 : memref<32768xi32, #tpu.memory_space<vmem>>[vector<16xi32>], vector<16xi32>, vector<16xi1>
        %parallel_loop3A_740 = arith.constant 1 : i32
        %parallel_loop3A_741 = arith.constant 0 : i32
        %parallel_loop3A_742 = vector.broadcast %parallel_loop3A_740 : i32 to vector<16xi32>
        %parallel_loop3A_743 = vector.broadcast %parallel_loop3A_741 : i32 to vector<16xi32>
        %parallel_loop3A_744 = arith.select %parallel_loop3A_729, %parallel_loop3A_742, %parallel_loop3A_743 : vector<16xi1>, vector<16xi32>
        %parallel_loop3A_745 = arith.addi %parallel_loop3A_711, %parallel_loop3A_744 : vector<16xi32>
        scf.yield %parallel_loop3A_745, %parallel_loop3A_735 : vector<16xi32>, vector<16xi32>
      } {sc.loop_unroll_factor = 8 : i64, sc.parallel_access}
      %reduce_max3A = arith.constant true
      %reduce_max3A_643 = vector.broadcast %reduce_max3A : i1 to vector<16xi1>
      %reduce_max3A_644 = arith.constant -2147483648 : i32
      %reduce_max3A_645 = vector.broadcast %reduce_max3A_644 : i32 to vector<16xi32>
      %reduce_max3A_646 = arith.xori %parallel_loop3A_642#1, %reduce_max3A_645 : vector<16xi32>
      %reduce_max3A_647 = tpu.scan <max>, %reduce_max3A_646 masked %reduce_max3A_643 : vector<16xi32>, vector<16xi1> -> vector<16xi32>
      %reduce_max3A_648 = arith.xori %reduce_max3A_647, %reduce_max3A_645 : vector<16xi32>
      %reduce_max3A_649 = vector.extract %reduce_max3A_648[15] : i32 from vector<16xi32>
      %reduce_max3A_650 = arith.constant true
      %reduce_max3A_651 = vector.broadcast %reduce_max3A_650 : i1 to vector<16xi1>
      %reduce_max3A_652 = arith.constant -2147483648 : i32
      %reduce_max3A_653 = vector.broadcast %reduce_max3A_652 : i32 to vector<16xi32>
      %reduce_max3A_654 = arith.xori %parallel_loop3A_642#0, %reduce_max3A_653 : vector<16xi32>
      %reduce_max3A_655 = tpu.scan <max>, %reduce_max3A_654 masked %reduce_max3A_651 : vector<16xi32>, vector<16xi1> -> vector<16xi32>
      %reduce_max3A_656 = arith.xori %reduce_max3A_655, %reduce_max3A_653 : vector<16xi32>
      %reduce_max3A_657 = vector.extract %reduce_max3A_656[15] : i32 from vector<16xi32>
      %sub3A_658 = arith.constant 16384 : i32
      %sub3A_659 = arith.subi %sub3A_658, %reduce_sum3A_630 : i32
      %add3A_660 = arith.constant 1 : i32
      %add3A_661 = arith.addi %sub3A_659, %add3A_660 : i32
      %min3A = arith.minsi %add3A_661, %reduce_sum3A_634 : i32
      %shift_left3A = arith.constant 24 : i32
      %shift_left3A_662 = arith.shli %sub3A_636, %shift_left3A : i32
      %scan3A_663 = arith.constant 0 : i32
      %scan3A_664 = arith.constant 24 : i32
      %scan3A_665 = arith.addi %scan3A_663, %scan3A_664 : i32
      %scan3A_666 = arith.constant 1 : i32
      %scan3A_667:2 = scf.for %scan3A_710 = %scan3A_663 to %scan3A_665 step %scan3A_666 iter_args(%scan3A_711 = %shift_left3A_662, %scan3A_712 = %shift_left3A_662) -> (i32, i32)  : i32 {
        %sub3A_713 = arith.constant 23 : i32
        %sub3A_714 = arith.subi %sub3A_713, %scan3A_710 : i32
        %shift_left3A_715 = arith.constant 1 : i32
        %shift_left3A_716 = arith.shli %shift_left3A_715, %sub3A_714 : i32
        %or3A = arith.ori %scan3A_711, %shift_left3A_716 : i32
        %or3A_717 = arith.ori %scan3A_712, %shift_left3A_716 : i32
        %parallel_loop3A_718 = arith.constant 0 : i32
        %parallel_loop3A_719 = arith.constant 1 : i32
        %parallel_loop3A_720:2 = scf.for %parallel_loop3A_733 = %parallel_loop3A_718 to %reduce_max3A_657 step %parallel_loop3A_719 iter_args(%parallel_loop3A_734 = %broadcast_in_dim3A_1, %parallel_loop3A_735 = %broadcast_in_dim3A_1) -> (vector<16xi32>, vector<16xi32>)  : i32 {
          %parallel_loop3A_736 = arith.constant 16 : i32
          %parallel_loop3A_737 = arith.muli %parallel_loop3A_733, %parallel_loop3A_736 : i32
          %parallel_loop3A_738 = arith.index_cast %parallel_loop3A_737 : i32 to index
          %parallel_loop3A_739 = tpu.vector_load %arg6[%parallel_loop3A_738] {strides = array<i32>} : memref<32768xi32, #tpu.memory_space<vmem>>, vector<16xi32>,
          %parallel_loop3A_740 = vector.broadcast %parallel_loop3A_733 : i32 to vector<16xi32>
          %parallel_loop3A_741 = arith.cmpi sgt, %parallel_loop3A_642#0, %parallel_loop3A_740 : vector<16xi32>
          %parallel_loop3A_742 = vector.broadcast %or3A : i32 to vector<16xi32>
          %parallel_loop3A_743 = arith.cmpi sge, %parallel_loop3A_739, %parallel_loop3A_742 : vector<16xi32>
          %parallel_loop3A_744 = arith.andi %parallel_loop3A_741, %parallel_loop3A_743 : vector<16xi1>
          %parallel_loop3A_745 = arith.constant 1 : i32
          %parallel_loop3A_746 = arith.constant 0 : i32
          %parallel_loop3A_747 = vector.broadcast %parallel_loop3A_745 : i32 to vector<16xi32>
          %parallel_loop3A_748 = vector.broadcast %parallel_loop3A_746 : i32 to vector<16xi32>
          %parallel_loop3A_749 = arith.select %parallel_loop3A_744, %parallel_loop3A_747, %parallel_loop3A_748 : vector<16xi1>, vector<16xi32>
          %parallel_loop3A_750 = arith.addi %parallel_loop3A_734, %parallel_loop3A_749 : vector<16xi32>
          %parallel_loop3A_751 = vector.broadcast %or3A_717 : i32 to vector<16xi32>
          %parallel_loop3A_752 = arith.cmpi sge, %parallel_loop3A_739, %parallel_loop3A_751 : vector<16xi32>
          %parallel_loop3A_753 = arith.andi %parallel_loop3A_741, %parallel_loop3A_752 : vector<16xi1>
          %parallel_loop3A_754 = arith.constant 1 : i32
          %parallel_loop3A_755 = arith.constant 0 : i32
          %parallel_loop3A_756 = vector.broadcast %parallel_loop3A_754 : i32 to vector<16xi32>
          %parallel_loop3A_757 = vector.broadcast %parallel_loop3A_755 : i32 to vector<16xi32>
          %parallel_loop3A_758 = arith.select %parallel_loop3A_753, %parallel_loop3A_756, %parallel_loop3A_757 : vector<16xi1>, vector<16xi32>
          %parallel_loop3A_759 = arith.addi %parallel_loop3A_735, %parallel_loop3A_758 : vector<16xi32>
          scf.yield %parallel_loop3A_750, %parallel_loop3A_759 : vector<16xi32>, vector<16xi32>
        } {sc.loop_unroll_factor = 4 : i64, sc.parallel_access}
        %reduce_sum3A_721 = arith.constant true
        %reduce_sum3A_722 = vector.broadcast %reduce_sum3A_721 : i1 to vector<16xi1>
        %reduce_sum3A_723 = tpu.scan <sum>, %parallel_loop3A_720#0 masked %reduce_sum3A_722 : vector<16xi32>, vector<16xi1> -> vector<16xi32>
        %reduce_sum3A_724 = vector.extract %reduce_sum3A_723[15] : i32 from vector<16xi32>
        %ge3A_725 = arith.cmpi sge, %reduce_sum3A_724, %sub3A_659 : i32
        %select_n3A_726 = arith.select %ge3A_725, %or3A, %scan3A_711 : i32
        %reduce_sum3A_727 = arith.constant true
        %reduce_sum3A_728 = vector.broadcast %reduce_sum3A_727 : i1 to vector<16xi1>
        %reduce_sum3A_729 = tpu.scan <sum>, %parallel_loop3A_720#1 masked %reduce_sum3A_728 : vector<16xi32>, vector<16xi1> -> vector<16xi32>
        %reduce_sum3A_730 = vector.extract %reduce_sum3A_729[15] : i32 from vector<16xi32>
        %ge3A_731 = arith.cmpi sge, %reduce_sum3A_730, %min3A : i32
        %select_n3A_732 = arith.select %ge3A_731, %or3A_717, %scan3A_712 : i32
        scf.yield %select_n3A_726, %select_n3A_732 : i32, i32
      }
      %scan3A_668 = arith.constant 24 : i32
      %shift_right_arithmetic3A = arith.constant 31 : i32
      %shift_right_arithmetic3A_669 = arith.shrsi %scan3A_667#0, %shift_right_arithmetic3A : i32
      %and3A_670 = arith.constant 2147483647 : i32
      %and3A_671 = arith.andi %shift_right_arithmetic3A_669, %and3A_670 : i32
      %xor3A = arith.xori %scan3A_667#0, %and3A_671 : i32
      %bitcast_convert_type3A = arith.bitcast %xor3A : i32 to f32
      %le3A = arith.cmpi sle, %add3A_661, %reduce_sum3A_634 : i32
      %select_n3A_672 = arith.select %le3A, %scan3A_667#1, %reduce_max3A_649 : i32
      %shift_right_arithmetic3A_673 = arith.constant 31 : i32
      %shift_right_arithmetic3A_674 = arith.shrsi %select_n3A_672, %shift_right_arithmetic3A_673 : i32
      %and3A_675 = arith.constant 2147483647 : i32
      %and3A_676 = arith.andi %shift_right_arithmetic3A_674, %and3A_675 : i32
      %xor3A_677 = arith.xori %select_n3A_672, %and3A_676 : i32
      %bitcast_convert_type3A_678 = arith.bitcast %xor3A_677 : i32 to f32
      %add3A_679 = arith.addf %bitcast_convert_type3A, %bitcast_convert_type3A_678 : f32
      %mul3A_680 = arith.constant 5.000000e-01 : f32
      %mul3A_681 = arith.mulf %mul3A_680, %add3A_679 : f32
      %swap3A_682 = arith.constant 0 : index
      %swap3A_683 = tpu.vector_load %arg6[%swap3A_682] {strides = array<i32>} : memref<32768xi32, #tpu.memory_space<vmem>>, vector<16xi32>,
      tpu.vector_store %arg6[%swap3A_682], %broadcast_in_dim3A_5 {strides = array<i32>} : memref<32768xi32, #tpu.memory_space<vmem>>, vector<16xi32>,
      %parallel_loop3A_684 = arith.constant 1 : i32
      %parallel_loop3A_685 = arith.constant 2048 : i32
      %parallel_loop3A_686 = arith.constant 1 : i32
      %parallel_loop3A_687:2 = scf.for %parallel_loop3A_710 = %parallel_loop3A_684 to %parallel_loop3A_685 step %parallel_loop3A_686 iter_args(%parallel_loop3A_711 = %broadcast_in_dim3A_1, %parallel_loop3A_712 = %broadcast_in_dim3A_3) -> (vector<16xi32>, vector<16xf32>)  : i32 {
        %parallel_loop3A_713 = arith.constant 16 : i32
        %parallel_loop3A_714 = arith.muli %parallel_loop3A_710, %parallel_loop3A_713 : i32
        %parallel_loop3A_715 = arith.index_cast %parallel_loop3A_714 : i32 to index
        %parallel_loop3A_716 = tpu.vector_load %arg5[%parallel_loop3A_715] {strides = array<i32>} : memref<32768xf32, #tpu.memory_space<vmem>>, vector<16xf32>,
        %parallel_loop3A_717 = vector.broadcast %mul3A_681 : f32 to vector<16xf32>
        %parallel_loop3A_718 = arith.cmpf ogt, %parallel_loop3A_716, %parallel_loop3A_717 : vector<16xf32>
        %parallel_loop3A_719 = arith.constant 1 : i32
        %parallel_loop3A_720 = arith.constant 0 : i32
        %parallel_loop3A_721 = vector.broadcast %parallel_loop3A_719 : i32 to vector<16xi32>
        %parallel_loop3A_722 = vector.broadcast %parallel_loop3A_720 : i32 to vector<16xi32>
        %parallel_loop3A_723 = arith.select %parallel_loop3A_718, %parallel_loop3A_721, %parallel_loop3A_722 : vector<16xi1>, vector<16xi32>
        %parallel_loop3A_724 = arith.addi %parallel_loop3A_711, %parallel_loop3A_723 : vector<16xi32>
        %parallel_loop3A_725 = arith.constant 0.000000e+00 : f32
        %parallel_loop3A_726 = vector.broadcast %parallel_loop3A_725 : f32 to vector<16xf32>
        %parallel_loop3A_727 = arith.select %parallel_loop3A_718, %parallel_loop3A_726, %parallel_loop3A_716 : vector<16xi1>, vector<16xf32>
        %parallel_loop3A_728 = arith.addf %parallel_loop3A_712, %parallel_loop3A_727 : vector<16xf32>
        %parallel_loop3A_729 = arith.constant 1 : i32
        %parallel_loop3A_730 = arith.constant 0 : i32
        %parallel_loop3A_731 = vector.broadcast %parallel_loop3A_729 : i32 to vector<16xi32>
        %parallel_loop3A_732 = vector.broadcast %parallel_loop3A_730 : i32 to vector<16xi32>
        %parallel_loop3A_733 = arith.select %parallel_loop3A_718, %parallel_loop3A_731, %parallel_loop3A_732 : vector<16xi1>, vector<16xi32>
        %parallel_loop3A_734 = arith.constant 16 : i32
        %parallel_loop3A_735 = arith.muli %parallel_loop3A_710, %parallel_loop3A_734 : i32
        %parallel_loop3A_736 = arith.index_cast %parallel_loop3A_735 : i32 to index
        %parallel_loop3A_737 = tpu.vector_load %arg6[%parallel_loop3A_736] {strides = array<i32>} : memref<32768xi32, #tpu.memory_space<vmem>>, vector<16xi32>,
        tpu.vector_store %arg6[%parallel_loop3A_736], %parallel_loop3A_733 {strides = array<i32>} : memref<32768xi32, #tpu.memory_space<vmem>>, vector<16xi32>,
        scf.yield %parallel_loop3A_724, %parallel_loop3A_728 : vector<16xi32>, vector<16xf32>
      } {sc.loop_unroll_factor = 8 : i64, sc.parallel_access}
      %reduce_sum3A_688 = arith.constant true
      %reduce_sum3A_689 = vector.broadcast %reduce_sum3A_688 : i1 to vector<16xi1>
      %reduce_sum3A_690 = tpu.scan <sum>, %parallel_loop3A_687#0 masked %reduce_sum3A_689 : vector<16xi32>, vector<16xi1> -> vector<16xi32>
      %reduce_sum3A_691 = vector.extract %reduce_sum3A_690[15] : i32 from vector<16xi32>
      %convert_element_type3A = arith.sitofp %reduce_sum3A_691 : i32 to f32
      %reduce_sum3A_692 = arith.constant true
      %reduce_sum3A_693 = vector.broadcast %reduce_sum3A_692 : i1 to vector<16xi1>
      %reduce_sum3A_694 = tpu.scan <sum>, %parallel_loop3A_687#1 masked %reduce_sum3A_693 : vector<16xf32>, vector<16xi1> -> vector<16xf32>
      %reduce_sum3A_695 = vector.extract %reduce_sum3A_694[15] : f32 from vector<16xf32>
      %eq3A = arith.constant 0 : i32
      %eq3A_696 = vector.broadcast %eq3A : i32 to vector<16xi32>
      %eq3A_697 = arith.cmpi eq, %iota3A, %eq3A_696 : vector<16xi32>
      %eq3A_698 = arith.constant 1 : i32
      %eq3A_699 = vector.broadcast %eq3A_698 : i32 to vector<16xi32>
      %eq3A_700 = arith.cmpi eq, %iota3A, %eq3A_699 : vector<16xi32>
      %jit3A_701 = arith.constant 0.000000e+00 : f32
      %broadcast_in_dim3A_702 = vector.broadcast %reduce_sum3A_695 : f32 to vector<16xf32>
      %broadcast_in_dim3A_703 = vector.broadcast %jit3A_701 : f32 to vector<16xf32>
      %select_n3A_704 = arith.select %eq3A_700, %broadcast_in_dim3A_702, %broadcast_in_dim3A_703 : vector<16xi1>, vector<16xf32>
      %broadcast_in_dim3A_705 = vector.broadcast %convert_element_type3A : f32 to vector<16xf32>
      %select_n3A_706 = arith.select %eq3A_697, %broadcast_in_dim3A_705, %select_n3A_704 : vector<16xi1>, vector<16xf32>
      %swap3A_707 = arith.constant 0 : index
      %swap3A_708 = tpu.vector_load %arg9[%swap3A_707] {strides = array<i32>} : memref<16xf32, #tpu.memory_space<vmem>>, vector<16xf32>,
      tpu.vector_store %arg9[%swap3A_707], %select_n3A_706 {strides = array<i32>} : memref<16xf32, #tpu.memory_space<vmem>>, vector<16xf32>,
      "tpu.region"() ({
        %run_scoped3A = tpu.sem_alloc : memref<!tpu.dma_semaphore, #tpu.memory_space<semaphore_mem>>
        %dma_start3A = arith.constant 0 : i32
        %dma_start3A_710 = tpu.memref_slice %arg3[%add3A_16, %dma_start3A] : memref<128x32768xi32, #tpu.memory_space<hbm>> -> memref<1x32768xi32, #tpu.memory_space<hbm>>
        %dma_start3A_711 = tpu.memref_squeeze %dma_start3A_710 : memref<1x32768xi32, #tpu.memory_space<hbm>> -> memref<32768xi32, #tpu.memory_space<hbm>>
        %dma_start3A_712 = arith.constant 0 : i32
        %dma_start3A_713 = tpu.memref_slice %arg3[%add3A_16, %dma_start3A_712] : memref<128x32768xi32, #tpu.memory_space<hbm>> -> memref<1x32768xi32, #tpu.memory_space<hbm>>
        %dma_start3A_714 = tpu.memref_squeeze %dma_start3A_713 : memref<1x32768xi32, #tpu.memory_space<hbm>> -> memref<32768xi32, #tpu.memory_space<hbm>>
        tpu.enqueue_dma source(%arg6 : memref<32768xi32, #tpu.memory_space<vmem>>) target(%dma_start3A_714 : memref<32768xi32, #tpu.memory_space<hbm>>) target_semaphore(%run_scoped3A : memref<!tpu.dma_semaphore, #tpu.memory_space<semaphore_mem>>)
        %dma_wait3A = arith.constant 0 : i32
        %dma_wait3A_715 = tpu.memref_slice %arg3[%add3A_16, %dma_wait3A] : memref<128x32768xi32, #tpu.memory_space<hbm>> -> memref<1x32768xi32, #tpu.memory_space<hbm>>
        %dma_wait3A_716 = tpu.memref_squeeze %dma_wait3A_715 : memref<1x32768xi32, #tpu.memory_space<hbm>> -> memref<32768xi32, #tpu.memory_space<hbm>>
        %dma_wait3A_717 = arith.constant 0 : i32
        %dma_wait3A_718 = tpu.memref_slice %arg3[%add3A_16, %dma_wait3A_717] : memref<128x32768xi32, #tpu.memory_space<hbm>> -> memref<1x32768xi32, #tpu.memory_space<hbm>>
        %dma_wait3A_719 = tpu.memref_squeeze %dma_wait3A_718 : memref<1x32768xi32, #tpu.memory_space<hbm>> -> memref<32768xi32, #tpu.memory_space<hbm>>
        tpu.wait_dma2 semaphore(%run_scoped3A : memref<!tpu.dma_semaphore, #tpu.memory_space<semaphore_mem>>) src(%arg6 : memref<32768xi32, #tpu.memory_space<vmem>>) dst(%dma_wait3A_719 : memref<32768xi32, #tpu.memory_space<hbm>>)
        tpu.yield
      }) : () -> ()
      "tpu.region"() ({
        %run_scoped3A = tpu.sem_alloc : memref<!tpu.dma_semaphore, #tpu.memory_space<semaphore_mem>>
        %dma_start3A = arith.constant 0 : i32
        %dma_start3A_710 = tpu.memref_slice %arg4[%add3A_16, %dma_start3A] : memref<128x16xf32, #tpu.memory_space<hbm>> -> memref<1x16xf32, #tpu.memory_space<hbm>>
        %dma_start3A_711 = tpu.memref_squeeze %dma_start3A_710 : memref<1x16xf32, #tpu.memory_space<hbm>> -> memref<16xf32, #tpu.memory_space<hbm>>
        %dma_start3A_712 = arith.constant 0 : i32
        %dma_start3A_713 = tpu.memref_slice %arg4[%add3A_16, %dma_start3A_712] : memref<128x16xf32, #tpu.memory_space<hbm>> -> memref<1x16xf32, #tpu.memory_space<hbm>>
        %dma_start3A_714 = tpu.memref_squeeze %dma_start3A_713 : memref<1x16xf32, #tpu.memory_space<hbm>> -> memref<16xf32, #tpu.memory_space<hbm>>
        tpu.enqueue_dma source(%arg9 : memref<16xf32, #tpu.memory_space<vmem>>) target(%dma_start3A_714 : memref<16xf32, #tpu.memory_space<hbm>>) target_semaphore(%run_scoped3A : memref<!tpu.dma_semaphore, #tpu.memory_space<semaphore_mem>>)
        %dma_wait3A = arith.constant 0 : i32
        %dma_wait3A_715 = tpu.memref_slice %arg4[%add3A_16, %dma_wait3A] : memref<128x16xf32, #tpu.memory_space<hbm>> -> memref<1x16xf32, #tpu.memory_space<hbm>>
        %dma_wait3A_716 = tpu.memref_squeeze %dma_wait3A_715 : memref<1x16xf32, #tpu.memory_space<hbm>> -> memref<16xf32, #tpu.memory_space<hbm>>
        %dma_wait3A_717 = arith.constant 0 : i32
        %dma_wait3A_718 = tpu.memref_slice %arg4[%add3A_16, %dma_wait3A_717] : memref<128x16xf32, #tpu.memory_space<hbm>> -> memref<1x16xf32, #tpu.memory_space<hbm>>
        %dma_wait3A_719 = tpu.memref_squeeze %dma_wait3A_718 : memref<1x16xf32, #tpu.memory_space<hbm>> -> memref<16xf32, #tpu.memory_space<hbm>>
        tpu.wait_dma2 semaphore(%run_scoped3A : memref<!tpu.dma_semaphore, #tpu.memory_space<semaphore_mem>>) src(%arg9 : memref<16xf32, #tpu.memory_space<vmem>>) dst(%dma_wait3A_719 : memref<16xf32, #tpu.memory_space<hbm>>)
        tpu.yield
      }) : () -> ()
      %scan3A_709 = arith.constant 0 : i32
      scf.yield %scan3A_709 : i32
    }
    %scan3A_11 = arith.constant 4 : i32
    return
  }
}

</mosaic_0001>

<sc_bundles>
// kernel: kernel.3.cloned.1.call-start
scs
__scs_entry_jumppad:
0x0: {  	(pc) =	sbr.rel $0x88, $3  }
0x1: {  	(tag) =	ssettag $0x0;
	lr =	simm.s32 $0x1  }
0x2: {  	[smem:$0x3FA0] =	sst lr;
	_ =	strace $0xD0000000  }
0x3: {  	_ = 	snop  }
0x4: {  	_ = 	snop  }
0x5: {  	_ = 	snop  }
0x6: {  	_ = 	snop  }
0x7: {  	_ = 	snop  }
__scs_overlays_trampoline_lowered:
0x8: {  	[smem:$0x3FAF] =	sst s0  }
0x9: {  	[smem:$0x3FB0] =	sst s1  }
0xa: {  	[smem:$0x3FB1] =	sst s2  }
0xb: {  	[smem:$0x3FB2] =	sst s3  }
0xc: {  	[smem:$0x3FB3] =	sst s4  }
0xd: {  	[smem:$0x3FB4] =	sst s5  }
0xe: {  	[smem:$0x3FB5] =	sst s6  }
0xf: {  	[smem:$0x3FB6] =	sst s7  }
0x10: {  	[smem:$0x3FB7] =	sst s8  }
0x11: {  	[smem:$0x3FB8] =	sst s9;
	s0 =	simm.s32 @!p0 $0x0  }
0x12: {  	s1 =	sld [smem:$0x3F9E];
	s0 =	simm.s32 @p0 $0x1  }
0x13: {  	[smem:$0x3FB9] =	sst s0;
	s0 =	simm.s32 @!p1 $0x0  }
0x14: {  	s2 =	sld [smem:$0x3F9D];
	s0 =	simm.s32 @p1 $0x1  }
0x15: {  	[smem:$0x3FBA] =	sst s0;
	s0 =	simm.s32 @!p2 $0x0  }
0x16: {  	s3 =	sld [smem:$0x3FDB];
	s0 =	simm.s32 @p2 $0x1  }
0x17: {  	s4 =	simm.s32 $0x1BF5;
	[smem:$0x3FBC] =	sst s0  }
0x18: {  	s0 =	sld [smem:$0x3F9F];
	_ =	swait.ge [sflag:s4], $0x0  }
0x19: {  	s7 =	sld [smem:$0x3FA0]  }
0x1a: {  	s8 =	sadd.s32 $0xFFFFE003, lr  }
0x1b: {  	s9 =	sadd.s32 $0xFFFFFEF7, lr;
	s5 =	simm.s32 $0xFFFFFFFF;
	p2 =	slt.u32 s8, $0xFFFFF086  }
0x1c: {  	p1 =	slt.u32 s9, $0xF7A;
	s5 =	simm.s32 @!p2 $0x0  }
0x1d: {  	s5 =	simm.s32 @p1 $0x1;
	p0 =	seq.s32 s7, s2  }
0x1e: {  	s7 =	smul.u32 @!p0 $0xF7A, s2;
	p2 =	seq.s32 @!p0 s5, $0x0  }
0x1f: {  	s9 =	smul.u32 $0xF7A, s1;
	s8 =	simm.s32 @!p0 $0x1BF5;
	p2 =	por !p2, p0  }
0x20: {  	[sflag:s8] =	ssyncset.s32 @!p0 $0xFFFFF086;
	s6 =	sadd.s32 @!p0 s3, s7;
	s7 =	simm.s32 @!p0 $0x108  }
0x21: {  	s3 =	sadd.s32 s3, s9;
	s6 =	sadd.s32 @!p0 $0x88, s6;
	s7 =	simm.s32 @p2 $0x1082  }
0x22: {  	[simem:s7], [sflag:s8] =	dma.local @!p0 [hbm:s6], $0xF7A  }
0x23: {  	s9 =	sor.u32 $0xD0000000, s2;
	s6 =	simm.s32 $0x108;
	_ =	swait.ge @!p0 [sflag:s8], $0x0  }
0x24: {  	s3 =	sadd.s32 $0x88, s3;
	s6 =	simm.s32 @!p1 $0x1082;
	[sflag:s4] =	ssyncset.s32 $0xFFFFF086  }
0x25: {  	[simem:s6], [sflag:s4] =	dma.local [hbm:s3], $0xF7A  }
0x26: {  	[smem:$0x3FA0] =	sst s1;
	(tag) =	ssettag s2;
	_ =	strace s9  }
0x27: {  	s1 =	sld [smem:$0x3FB0]  }
0x28: {  	s2 =	sld [smem:$0x3FB1]  }
0x29: {  	s4 =	sld [smem:$0x3FB3]  }
0x2a: {  	p0 =	seq.s32 s5, $0x0;
	s5 =	sld [smem:$0x3FB4]  }
0x2b: {  	s6 =	sld [smem:$0x3FB5]  }
0x2c: {  	s7 =	sld [smem:$0x3FB6]  }
0x2d: {  	s3 =	simm.s32 $0x108;
	s8 =	sld [smem:$0x3FB7]  }
0x2e: {  	s3 =	simm.s32 @!p0 $0x1082;
	s9 =	sld [smem:$0x3FB8]  }
0x2f: {  	lr =	sadd.s32 s0, s3;
	s0 =	sld [smem:$0x3FAF]  }
0x30: {  	s3 =	sld [smem:$0x3FB2]  }
0x31: {  	[smem:$0x3FBB] =	sst s10  }
0x32: {  	s10 =	sld [smem:$0x3FB9];
	_ =	sdelay $0x3  }
0x33: {  	p0 =	seq.s32 s10, $0x1;
	s10 =	sld [smem:$0x3FBB];
	_ =	sdelay $0x3  }
0x34: {  	[smem:$0x3FBB] =	sst s10  }
0x35: {  	s10 =	sld [smem:$0x3FBA];
	_ =	sdelay $0x3  }
0x36: {  	p1 =	seq.s32 s10, $0x1;
	s10 =	sld [smem:$0x3FBB];
	_ =	sdelay $0x3  }
0x37: {  	[smem:$0x3FBB] =	sst s10  }
0x38: {  	s10 =	sld [smem:$0x3FBC]  }
0x39: {  	_ = 	snop;
	(pc) =	sbr.ind lr, $3  }
0x3a: {  	_ = 	snop  }
0x3b: {  	_ = 	snop  }
0x3c: {  	p2 =	seq.s32 s10, $0x1;
	s10 =	sld [smem:$0x3FBB]  }
0x3d: {  	_ =	shalt  }
0x3e: {  	_ =	shalt  }
0x3f: {  	_ =	shalt  }
0x40: {  	_ =	shalt  }
0x41: {  	_ =	shalt  }
0x42: {  	_ =	shalt  }
0x43: {  	_ =	shalt  }
0x44: {  	_ =	shalt  }
0x45: {  	_ =	shalt  }
0x46: {  	_ =	shalt  }
0x47: {  	_ =	shalt  }
0x48: {  	_ =	shalt  }
0x49: {  	_ =	shalt  }
0x4a: {  	_ =	shalt  }
0x4b: {  	_ =	shalt  }
0x4c: {  	_ =	shalt  }
0x4d: {  	_ =	shalt  }
0x4e: {  	_ =	shalt  }
0x4f: {  	_ =	shalt  }
0x50: {  	_ =	shalt  }
0x51: {  	_ =	shalt  }
0x52: {  	_ =	shalt  }
0x53: {  	_ =	shalt  }
0x54: {  	_ =	shalt  }
0x55: {  	_ =	shalt  }
0x56: {  	_ =	shalt  }
0x57: {  	_ =	shalt  }
0x58: {  	_ =	shalt  }
0x59: {  	_ =	shalt  }
0x5a: {  	_ =	shalt  }
0x5b: {  	_ =	shalt  }
0x5c: {  	_ =	shalt  }
0x5d: {  	_ =	shalt  }
0x5e: {  	_ =	shalt  }
0x5f: {  	_ =	shalt  }
0x60: {  	_ =	shalt  }
0x61: {  	_ =	shalt  }
0x62: {  	_ =	shalt  }
0x63: {  	_ =	shalt  }
0x64: {  	_ =	shalt  }
0x65: {  	_ =	shalt  }
0x66: {  	_ =	shalt  }
0x67: {  	_ =	shalt  }
0x68: {  	_ =	shalt  }
0x69: {  	_ =	shalt  }
0x6a: {  	_ =	shalt  }
0x6b: {  	_ =	shalt  }
0x6c: {  	_ =	shalt  }
0x6d: {  	_ =	shalt  }
0x6e: {  	_ =	shalt  }
0x6f: {  	_ =	shalt  }
0x70: {  	_ =	shalt  }
0x71: {  	_ =	shalt  }
0x72: {  	_ =	shalt  }
0x73: {  	_ =	shalt  }
0x74: {  	_ =	shalt  }
0x75: {  	_ =	shalt  }
0x76: {  	_ =	shalt  }
0x77: {  	_ =	shalt  }
0x78: {  	_ =	shalt  }
0x79: {  	_ =	shalt  }
0x7a: {  	_ =	shalt  }
0x7b: {  	_ =	shalt  }
0x7c: {  	_ =	shalt  }
0x7d: {  	_ =	shalt  }
0x7e: {  	_ =	shalt  }
0x7f: {  	_ =	shalt  }
0x80: {  	_ =	shalt  }
0x81: {  	_ =	shalt  }
0x82: {  	_ =	shalt  }
0x83: {  	_ =	shalt  }
0x84: {  	_ =	shalt  }
0x85: {  	_ =	shalt  }
0x86: {  	_ =	shalt  }
0x87: {  	_ =	shalt  }
.Lfunc_end0:
.L_simem_size_0:
called_computation_lowered:
.L_overlay_start_0:
0x88: {  	s2 =	sld [smem:$0x3FD9]  }
0x89: {  	s3 =	sld [smem:$0x3FFE];
	_ =	sdelay $0x1  }
0x8a: {  	s1 =	srdreg.scid  }
0x8b: {  	s0 =	sand.u32 $0x1, s1  }
0x8c: {  	s14 =	sshll.u32 s0, $0xA;
	s2 =	sadd.s32 s3, s2  }
0x8d: {  	s2 =	sadd.s32 s2, s14  }
0x8e: {  	[smem:$0x3FC7] =	sst s2  }
0x8f: {  	_ = 	snop  }
0x90: {  	s2 =	sld [smem:$0x3FD0];
	_ =	sdelay $0x2  }
0x91: {  	s4 =	simm.s32 $0xA;
	s5 =	simm.s32 $0x10;
	s15 =	sld [smem:$0x3FC9]  }
0x92: {  	[smem:s5], [sflag:s4] =	dma.local [hbm:s2], $0x1  }
0x93: {  	_ =	swait.eq [sflag:s4], $0x1  }
0x94: {  	[sflag:s4] =	ssyncset.done $0x0  }
0x95: {  	[sflag:s4] =	ssyncadd.s32 $0xFFFFFFFF  }
0x96: {  	s16 =	sld [smem:$0x10];
	(tm) =	ssettm $0x1  }
0x97: {  	s17 =	sld [smem:$0x3FFB];
	_ =	sdelay $0x3  }
0x98: {  	_ =	strace s17  }
0x99: {  	s4 =	sld [smem:$0x3FFC];
	_ =	sdelay $0x3  }
0x9a: {  	_ =	strace s4  }
0x9b: {  	s4 =	sld [smem:$0x3FFD];
	_ =	sdelay $0x3  }
0x9c: {  	_ =	strace s4  }
0x9d: {  	_ =	strace $0x8FFFFFFF  }
0x9e: {  	s18 =	sld [smem:$0x3FDB];
	_ =	sdelay $0x1  }
0x9f: {  	s19 =	simm.s32 $_scs_section_size  }
0xa0: {  	s6 =	simm.s32 $_size__tile_overlayer_lowered;
	s7 =	simm.s32 $_tile_overlayer_lowered  }
0xa1: {  	s22 =	simm.s32 $0x1BFF;
	s21 =	sshll.u32 s7, $0x1;
	s4 =	sadd.s32 s19, s18  }
0xa2: {  	s8 =	simm.s32 $0x0;
	s20 =	sshll.u32 s6, $0x1;
	s6 =	sadd.s32 s21, s4  }
0xa3: {  	[timem:s8], [sflag:s22] =	dma.local [hbm:s6], s20  }
0xa4: {  	_ =	swait.ge [sflag:s22], s20  }
0xa5: {  	s5 =	ssub.s32 $0x0, s20;
	[sflag:s22] =	ssyncset.done $0x0  }
0xa6: {  	[sflag:s22] =	ssyncadd.s32 s5;
	_ =	sdelay $0x1  }
0xa7: {  	s23 =	simm.s32 $0x1B8B  }
0xa8: {  	_ =	swait.ge [sflag:s23], $0x1  }
0xa9: {  	[sflag:s23] =	ssyncset.done $0x0  }
0xaa: {  	s25 =	simm.s32 $0x1B8E;
	s24 =	sld [smem:$0x3FFE];
	[sflag:s23] =	ssyncadd.s32 $0xFFFFFFFF  }
0xab: {  	s26 =	simm.s32 $execute0_lowered;
	[smem:$0x3FD2] =	sst s25  }
0xac: {  	s6 =	sshll.u32 s26, $0x1;
	_ =	strace $0x80000046;
	[dreg:$0x1] =	wrdreg $0xFFFFFFFF  }
0xad: {  	s28 =	simm.s32 $_size_execute0_lowered;
	s4 =	sadd.s32 s4, s6;
	[dreg:$0x0] =	wrdreg $0x0  }
0xae: {  	s6 =	sshll.u32 s28, $0x1;
	[dreg:$0x2] =	wrdreg s4  }
0xaf: {  	[dreg:$0x3] =	wrdreg s6  }
0xb0: {  	[dreg:$0x4] =	wrdreg $0xC0  }
0xb1: {  	_ =	task [dreg:s8], $0x5FFFF  }
0xb2: {  	[dreg:$0x1] =	wrdreg $0xFFFFFFFF  }
0xb3: {  	[dreg:$0x0] =	wrdreg $0x60  }
0xb4: {  	[dreg:$0x2] =	wrdreg s15  }
0xb5: {  	[dreg:$0x3] =	wrdreg s24  }
0xb6: {  	[dreg:$0x4] =	wrdreg s16  }
0xb7: {  	[dreg:$0x5] =	wrdreg $0x9  }
0xb8: {  	_ =	task.clear_ibuf [dreg:s8], $0x6FFFF;
	_ =	strace $0x90000046  }
0xb9: {  	s29 =	simm.s32 $0x9;
	_ =	strace $0x80000048  }
0xba: {  	_ =	swait.ge [sflag:s29], $0x1  }
0xbb: {  	[sflag:s29] =	ssyncadd.s32 $0xFFFFFFFF  }
0xbc: {  	_ =	strace $0x90000048  }
0xbd: {  	_ =	sfence  }
0xbe: {  	s30 =	sld [smem:$0x0];
	_ =	sdelay $0x2  }
0xbf: {  	s31 =	sshll.u32 s1, $0xD;
	s1 =	sshrl.u32 s1, $0x2  }
0xc0: {  	s3 =	sand.u32 $0x4000, s31;
	s1 =	sadd.s32 s1, s30  }
0xc1: {  	s0 =	sor.u32 s3, s0;
	s1 =	sshll.u32 s1, $0x11  }
0xc2: {  	s0 =	sor.u32 s1, s0  }
0xc3: {  	s0 =	sadd.s32 $0x8F2B, s0  }
0xc4: {  	[sflag:s0] =	ssyncadd.remote.s32 $0x1  }
0xc5: {  	_ =	sfence.sel $0xFFFF  }
0xc6: {  	[dreg:$0x0] =	wrdreg $0xFFFFFFFF;
	(pc) =	sbr.abs _section_cstart, $3  }
0xc7: {  	[dreg:$0x1] =	wrdreg $0xFFFFFFFF  }
0xc8: {  	_ =	task.clear_ibuf [dreg:s8], $0x2FFFF;
	_ =	strace $0x9FFFFFFF  }
0xc9: {  	(tm) =	ssettm $0x7FFFFFFF  }
tec
execute0_lowered:
.L_overlay_start_1:
0x0: {  	(tag) =	ssettag $0x1  }
0x1: {  	v0 =	vlaneseq.u32  }
0x2: {  	v1 =	vmul.u32 $0x100, v0;
	_ =	sdelay $0x1  }
0x3: {  	s4 =	simm.s32 $0x0;
	v3 =	vor.u32 $0x80, v1;
	v1 =	vor.u32 $0xF0, v0  }
0x4: {  	[smem:$0x7FF] =	sst s4;
	[tilespmem:$0x1FF10] =	vst v1;
	v1 =	vor.u32 $0xE0, v0  }
0x5: {  	_ =	strace $0x80000047;
	[tilespmem:$0x1FF20] =	vst v1;
	v1 =	vor.u32 $0xD0, v0  }
0x6: {  	[tilespmem:$0x1FF30] =	vst v1;
	v1 =	vor.u32 $0xC0, v0  }
0x7: {  	[tilespmem:$0x1FF40] =	vst v1;
	v1 =	vor.u32 $0xB0, v0  }
0x8: {  	[tilespmem:$0x1FF50] =	vst v1;
	v1 =	vor.u32 $0xA0, v0  }
0x9: {  	[tilespmem:$0x1FF60] =	vst v1;
	v1 =	vor.u32 $0x90, v0  }
0xa: {  	[tilespmem:$0x1FF70] =	vst v1;
	v1 =	vor.u32 $0x80, v0  }
0xb: {  	[tilespmem:$0x1FF80] =	vst v1;
	v1 =	vor.u32 $0x70, v0  }
0xc: {  	s0 =	srdreg.scid;
	[tilespmem:$0x1FF90] =	vst v1;
	v1 =	vor.u32 $0x60, v0  }
0xd: {  	s2 =	stileid.u32;
	s0 =	sand.u32 $0x1, s0;
	[tilespmem:$0x1FFA0] =	vst v1;
	v1 =	vor.u32 $0x50, v0  }
0xe: {  	s10 =	simm.s32 $0x80;
	s11 =	simm.s32 $0x400;
	s1 =	ssub.s32 $0x2, s0;
	[tilespmem:$0x1FFB0] =	vst v1;
	v1 =	vor.u32 $0x40, v0  }
0xf: {  	s12 =	simm.s32 $0x1;
	s13 =	simm.s32 $0x10000;
	s5 =	sshrl.u32 s1, $0x1;
	[tilespmem:$0x1FFC0] =	vst v1;
	v1 =	vor.u32 $0x30, v0  }
0x10: {  	s14 =	simm.s32 $0x8000;
	s15 =	simm.s32 $0x800000;
	s1 =	ssub.s32 s1, s5;
	[tilespmem:$0x1FFD0] =	vst v1;
	v1 =	vor.u32 $0x20, v0  }
0x11: {  	s7 =	sshll.u32 s2, $0x12;
	s8 =	sshll.u32 s2, $0xA;
	s31 =	smax.u32 s1, $0x1;
	[tilespmem:$0x1FFE0] =	vst v1;
	v1 =	vor.u32 $0x10, v0  }
0x12: {  	v2 =	vimm.s32 $0x0;
	v4 =	vimm.s32 $0x1;
	s6 =	sshll.u32 s0, $0x9;
	s1 =	simm.s32 $0x0;
	[dreg:$0x4] =	wrdreg s31;
	[tilespmem:$0x1FFF0] =	vst v1  }
.LBB2_1:
0x13: {  	[dreg:$0x5] =	wrdreg s1;
	s18 =	simm.s32 $0x0  }
.LBB2_2:
0x14: {  	s0 =	sshll.u32 s18, $0x7  }
0x15: {  	s19 =	sadd.s32 s6, s0  }
0x16: {  	s0 =	sadd.s32 s7, s19  }
0x17: {  	s31 =	rddreg [dreg:$0x0];
	s20 =	sshrl.u32 s0, $0x3  }
0x18: {  	s0 =	sadd.s32 s31, s20  }
0x19: {  	[tilespmem:s4], [sflag:$0x1] =	stream.strided.gather [hbm4b:s0+s10], $0x8000, s11, s10, $0x38;
	[tilespmem:$0x11180] =	vst v63  }
0x1a: {  	_ =	swait.ge [sflag:s12], $0x8000  }
0x1b: {  	[sflag:s12] =	ssyncset.done $0x0  }
0x1c: {  	v1 =	vimm.f32 $-1.000000020e+30;
	[sflag:s12] =	ssyncadd.s32 $0xFFFF8000  }
0x1d: {  	s0 =	simm.s32 $0x10040;
	[tilespmem:$0x0] =	vst v1  }
0x1e: {  	[tilespmem:s0+$0xFFFFFFC0] =	vst v2  }
0x1f: {  	[tilespmem:s0+$0x30] =	vst v2  }
0x20: {  	[tilespmem:s0+$0x20] =	vst v2  }
0x21: {  	[tilespmem:s0+$0x10] =	vst v2  }
0x22: {  	[tilespmem:s0+$0x0] =	vst v2  }
0x23: {  	[tilespmem:s0+$0xFFFFFFF0] =	vst v2  }
0x24: {  	s5 =	simm.s32 $0x0;
	[tilespmem:s0+$0xFFFFFFE0] =	vst v2  }
.LBB2_3:
0x25: {  	s5 =	sadd.s32 $0x8, s5;
	[tilespmem:s0+$0xFFFFFFD0] =	vst v2;
	s0 =	sadd.s32 $0x80, s0;
	s1 =	simm.s32 $0x40  }
0x26: {  	[tilespmem:s0+$0xFFFFFFC0] =	vst v2;
	p0 =	slt.u32 s5, $0xF8  }
0x27: {  	[tilespmem:s0+$0x30] =	vst v2  }
.Ltmp0:
0x28: {  	[tilespmem:s0+$0x20] =	vst v2;
	(pc) =	sbr.rel @p0 .LBB2_3-.Ltmp0, $4  }
0x29: {  	[tilespmem:s0+$0x10] =	vst v2  }
0x2a: {  	[tilespmem:s0+$0x0] =	vst v2  }
0x2b: {  	[tilespmem:s0+$0xFFFFFFF0] =	vst v2  }
0x2c: {  	[tilespmem:s0+$0xFFFFFFE0] =	vst v2  }
0x2d: {  	[tilespmem:s0+$0xFFFFFFD0] =	vst v2  }
0x2e: {  	v1 =	vld [tilespmem:s1+$0x30]  }
0x2f: {  	v5 =	vld [tilespmem:s1+$0xFFFFFFD0]  }
0x30: {  	v6 =	vld [tilespmem:s1+$0xFFFFFFE0]  }
0x31: {  	v20 =	vld [tilespmem:s1+$0xFFFFFFF0]  }
0x32: {  	v21 =	vld [tilespmem:s1+$0x0];
	_ =	sdelay $0x1  }
0x33: {  	v22 =	vld [tilespmem:s1+$0x10]  }
0x34: {  	v25 =	vld [tilespmem:s1+$0x20]  }
0x35: {  	v26 =	vld [tilespmem:s1+$0xFFFFFFC0];
	v23 =	vshra.s32 v1, $0x1F;
	v24 =	vshra.s32 v5, $0x1F;
	v27 =	vshra.s32 v6, $0x1F  }
0x36: {  	v62 =	vshra.s32 v20, $0x1F;
	v28 =	vshra.s32 v21, $0x1F;
	v23 =	vand.u32 $0x7F000000, v23  }
0x37: {  	v24 =	vand.u32 $0x7F000000, v24;
	v1 =	vxor.u32 v1, v23;
	v23 =	vand.u32 $0x7F000000, v27  }
0x38: {  	v27 =	vand.u32 $0x7F000000, v62;
	v24 =	vxor.u32 v5, v24;
	v1 =	vshra.s32 v1, $0x18  }
0x39: {  	v5 =	vshra.s32 v22, $0x1F;
	v63 =	vxor.u32 v6, v23;
	v29 =	vadd.s32 v3, v1  }
0x3a: {  	v6 =	vand.u32 $0x7F000000, v5;
	v5 =	vshra.s32 v25, $0x1F;
	v23 =	vshra.s32 v26, $0x1F  }
0x3b: {  	v27 =	vxor.u32 v20, v27;
	v1 =	vand.u32 $0x7F000000, v28;
	v20 =	vand.u32 $0x7F000000, v5  }
0x3c: {  	v23 =	vand.u32 $0x7F000000, v23;
	v5 =	vxor.u32 v21, v1;
	v1 =	vxor.u32 v22, v6  }
0x3d: {  	v21 =	vxor.u32 v26, v23;
	v6 =	vshra.s32 v24, $0x18;
	v20 =	vxor.u32 v25, v20  }
0x3e: {  	s21 =	simm.s32 $0x11000;
	s5 =	simm.s32 $0xC0;
	s1 =	simm.s32 $0x0;
	v22 =	vshra.s32 v63, $0x18;
	v23 =	vshra.s32 v21, $0x18;
	v21 =	vshra.s32 v27, $0x18;
	[tilespmem:v29+s13+$0x0] =	vst.idx.add.s32.msk $0xffff, v4  }
.LBB2_5:
0x3f: {  	v24 =	vld [tilespmem:s5+$0x30];
	s1 =	sadd.s32 $0x8, s1;
	v5 =	vshra.s32 v5, $0x18;
	v1 =	vshra.s32 v1, $0x18;
	v20 =	vshra.s32 v20, $0x18  }
0x40: {  	v23 =	vadd.s32 v3, v23;
	v6 =	vadd.s32 v3, v6;
	v22 =	vadd.s32 v3, v22;
	v25 =	vld [tilespmem:s5+$0xFFFFFFD0];
	p0 =	slt.u32 s1, $0x7F8  }
0x41: {  	v21 =	vadd.s32 v3, v21;
	v5 =	vadd.s32 v3, v5;
	v27 =	vadd.s32 v3, v1;
	v26 =	vld [tilespmem:s5+$0xFFFFFFE0]  }
0x42: {  	v28 =	vadd.s32 v3, v20;
	v1 =	vld [tilespmem:s5+$0xFFFFFFF0]  }
0x43: {  	v20 =	vld [tilespmem:s5+$0x0]  }
0x44: {  	v29 =	vld [tilespmem:s5+$0x10];
	v30 =	vshra.s32 v24, $0x1F  }
0x45: {  	v31 =	vshra.s32 v25, $0x1F;
	v32 =	vld [tilespmem:s5+$0x20];
	v30 =	vand.u32 $0x7F000000, v30  }
0x46: {  	v33 =	vld [tilespmem:s5+$0xFFFFFFC0];
	v31 =	vand.u32 $0x7F000000, v31;
	v34 =	vshra.s32 v26, $0x1F;
	v24 =	vxor.u32 v24, v30  }
0x47: {  	v30 =	vand.u32 $0x7F000000, v34;
	v34 =	vshra.s32 v1, $0x1F;
	v24 =	vshra.s32 v24, $0x18;
	[tilespmem:v23+s13+$0x0] =	vst.idx.add.s32.msk $0xffff, v4  }
0x48: {  	v23 =	vand.u32 $0x7F000000, v34;
	v34 =	vshra.s32 v20, $0x1F;
	v24 =	vadd.s32 v3, v24;
	[tilespmem:v6+s13+$0x0] =	vst.idx.add.s32.msk $0xffff, v4  }
0x49: {  	v6 =	vxor.u32 v25, v31;
	v25 =	vand.u32 $0x7F000000, v34;
	v31 =	vshra.s32 v29, $0x1F;
	[tilespmem:v22+s13+$0x0] =	vst.idx.add.s32.msk $0xffff, v4  }
.Ltmp1:
0x4a: {  	v22 =	vxor.u32 v26, v30;
	v26 =	vand.u32 $0x7F000000, v31;
	v30 =	vshra.s32 v32, $0x1F;
	[tilespmem:v21+s13+$0x0] =	vst.idx.add.s32.msk $0xffff, v4;
	(pc) =	sbr.rel @p0 .LBB2_5-.Ltmp1, $4  }
0x4b: {  	v31 =	vxor.u32 v1, v23;
	v21 =	vshra.s32 v33, $0x1F;
	v23 =	vand.u32 $0x7F000000, v30;
	[tilespmem:v5+s13+$0x0] =	vst.idx.add.s32.msk $0xffff, v4  }
0x4c: {  	v5 =	vxor.u32 v20, v25;
	v1 =	vxor.u32 v29, v26;
	v21 =	vand.u32 $0x7F000000, v21;
	[tilespmem:v27+s13+$0x0] =	vst.idx.add.s32.msk $0xffff, v4  }
0x4d: {  	s0 =	simm.s32 $0x0;
	v6 =	vshra.s32 v6, $0x18;
	v20 =	vxor.u32 v32, v23;
	v21 =	vxor.u32 v33, v21;
	[tilespmem:v24+s13+$0x0] =	vst.idx.add.s32.msk $0xffff, v4  }
0x4e: {  	s5 =	sadd.s32 $0x80, s5;
	v22 =	vshra.s32 v22, $0x18;
	v23 =	vshra.s32 v21, $0x18;
	v21 =	vshra.s32 v31, $0x18;
	[tilespmem:v28+s13+$0x0] =	vst.idx.add.s32.msk $0xffff, v4  }
0x4f: {  	v23 =	vadd.s32 v3, v23  }
0x50: {  	v6 =	vadd.s32 v3, v6  }
0x51: {  	v22 =	vadd.s32 v3, v22  }
0x52: {  	v5 =	vshra.s32 v5, $0x18;
	v21 =	vadd.s32 v3, v21  }
0x53: {  	v1 =	vshra.s32 v1, $0x18;
	v5 =	vadd.s32 v3, v5  }
0x54: {  	v20 =	vshra.s32 v20, $0x18;
	v1 =	vadd.s32 v3, v1;
	[tilespmem:v23+s13+$0x0] =	vst.idx.add.s32.msk $0xffff, v4  }
0x55: {  	v20 =	vadd.s32 v3, v20;
	[tilespmem:v6+s13+$0x0] =	vst.idx.add.s32.msk $0xffff, v4  }
0x56: {  	[tilespmem:v22+s13+$0x0] =	vst.idx.add.s32.msk $0xffff, v4  }
0x57: {  	[tilespmem:v21+s13+$0x0] =	vst.idx.add.s32.msk $0xffff, v4  }
0x58: {  	[tilespmem:v5+s13+$0x0] =	vst.idx.add.s32.msk $0xffff, v4  }
0x59: {  	[tilespmem:v1+s13+$0x0] =	vst.idx.add.s32.msk $0xffff, v4  }
0x5a: {  	s0 =	sand.u32 $0xF0, s0;
	[tilespmem:v20+s13+$0x0] =	vst.idx.add.s32.msk $0xffff, v4  }
0x5b: {  	v1 =	vld [tilespmem:s0+$0x10100]  }
0x5c: {  	v5 =	vld [tilespmem:s0+$0x10000]  }
0x5d: {  	v6 =	vld [tilespmem:s0+$0x10200]  }
0x5e: {  	v20 =	vld [tilespmem:s0+$0x10300]  }
0x5f: {  	v21 =	vld [tilespmem:s0+$0x10400]  }
0x60: {  	v22 =	vld [tilespmem:s0+$0x10500]  }
0x61: {  	v1 =	vadd.s32 v5, v1;
	v5 =	vld [tilespmem:s0+$0x10600]  }
0x62: {  	v1 =	vadd.s32 v1, v6;
	v6 =	vld [tilespmem:s0+$0x10700]  }
0x63: {  	v58 =	vld [tilespmem:s0+$0x10800];
	v1 =	vadd.s32 v1, v20  }
0x64: {  	v59 =	vld [tilespmem:s0+$0x10900];
	v1 =	vadd.s32 v1, v21  }
0x65: {  	v60 =	vld [tilespmem:s0+$0x10A00];
	v1 =	vadd.s32 v1, v22  }
0x66: {  	v1 =	vadd.s32 v1, v5;
	v5 =	vld [tilespmem:s0+$0x10B00]  }
0x67: {  	v1 =	vadd.s32 v1, v6;
	v6 =	vld [tilespmem:s0+$0x10C00]  }
0x68: {  	v61 =	vld [tilespmem:s0+$0x10D00];
	v1 =	vadd.s32 v1, v58  }
0x69: {  	v62 =	vld [tilespmem:s0+$0x10E00];
	v1 =	vadd.s32 v1, v59  }
0x6a: {  	v63 =	vld [tilespmem:s0+$0x10F00];
	v1 =	vadd.s32 v1, v60  }
0x6b: {  	v1 =	vadd.s32 v1, v5  }
0x6c: {  	v1 =	vadd.s32 v1, v6  }
0x6d: {  	v1 =	vadd.s32 v1, v61  }
0x6e: {  	v1 =	vadd.s32 v1, v62  }
0x6f: {  	s31 =	simm.s32 $0x10;
	v1 =	vadd.s32 v1, v63  }
0x70: {  	s1 =	sand.u32 $0xF0, s31;
	[tilespmem:s21+$0x0] =	vst v1  }
0x71: {  	s0 =	simm.s32 $0x20;
	v1 =	vld [tilespmem:s1+$0x10100]  }
.LBB2_7:
0x72: {  	p0 =	sne.s32 s0, $0xF0;
	v5 =	vld [tilespmem:s1+$0x10000]  }
0x73: {  	v6 =	vld [tilespmem:s1+$0x10200]  }
0x74: {  	v20 =	vld [tilespmem:s1+$0x10300]  }
0x75: {  	v21 =	vld [tilespmem:s1+$0x10400]  }
0x76: {  	v22 =	vld [tilespmem:s1+$0x10500]  }
0x77: {  	v1 =	vadd.s32 v5, v1;
	v5 =	vld [tilespmem:s1+$0x10600]  }
0x78: {  	v1 =	vadd.s32 v1, v6;
	v6 =	vld [tilespmem:s1+$0x10700]  }
0x79: {  	v1 =	vadd.s32 v1, v20;
	v20 =	vld [tilespmem:s1+$0x10800]  }
0x7a: {  	v1 =	vadd.s32 v1, v21;
	v21 =	vld [tilespmem:s1+$0x10900]  }
0x7b: {  	v1 =	vadd.s32 v1, v22;
	v22 =	vld [tilespmem:s1+$0x10A00]  }
0x7c: {  	v1 =	vadd.s32 v1, v5;
	v5 =	vld [tilespmem:s1+$0x10B00]  }
0x7d: {  	v1 =	vadd.s32 v1, v6;
	v6 =	vld [tilespmem:s1+$0x10C00]  }
0x7e: {  	v1 =	vadd.s32 v1, v20;
	v20 =	vld [tilespmem:s1+$0x10D00]  }
0x7f: {  	v1 =	vadd.s32 v1, v21;
	v21 =	vld [tilespmem:s1+$0x10E00]  }
0x80: {  	v1 =	vadd.s32 v1, v22;
	v22 =	vld [tilespmem:s1+$0x10F00]  }
0x81: {  	v1 =	vadd.s32 v1, v5  }
0x82: {  	v1 =	vadd.s32 v1, v6  }
.Ltmp2:
0x83: {  	v1 =	vadd.s32 v1, v20;
	(pc) =	sbr.rel @p0 .LBB2_7-.Ltmp2, $4  }
0x84: {  	v1 =	vadd.s32 v1, v21  }
0x85: {  	s21 =	sadd.s32 $0x10, s21;
	v1 =	vadd.s32 v1, v22  }
0x86: {  	s1 =	sand.u32 $0xF0, s0;
	[tilespmem:s21+$0x0] =	vst v1  }
0x87: {  	s0 =	sadd.s32 $0x10, s0;
	v1 =	vld [tilespmem:s1+$0x10100]  }
0x88: {  	v5 =	vld [tilespmem:s1+$0x10000]  }
0x89: {  	v6 =	vld [tilespmem:s1+$0x10200]  }
0x8a: {  	v20 =	vld [tilespmem:s1+$0x10300]  }
0x8b: {  	v21 =	vld [tilespmem:s1+$0x10400]  }
0x8c: {  	v22 =	vld [tilespmem:s1+$0x10500]  }
0x8d: {  	v1 =	vadd.s32 v5, v1;
	v5 =	vld [tilespmem:s1+$0x10600]  }
0x8e: {  	v1 =	vadd.s32 v1, v6;
	v6 =	vld [tilespmem:s1+$0x10700]  }
0x8f: {  	v47 =	vld [tilespmem:s1+$0x10800];
	v1 =	vadd.s32 v1, v20  }
0x90: {  	v48 =	vld [tilespmem:s1+$0x10900];
	v1 =	vadd.s32 v1, v21  }
0x91: {  	v49 =	vld [tilespmem:s1+$0x10A00];
	v1 =	vadd.s32 v1, v22  }
0x92: {  	v1 =	vadd.s32 v1, v5;
	v5 =	vld [tilespmem:s1+$0x10B00]  }
0x93: {  	v1 =	vadd.s32 v1, v6;
	v6 =	vld [tilespmem:s1+$0x10C00]  }
0x94: {  	v50 =	vld [tilespmem:s1+$0x10D00];
	v1 =	vadd.s32 v1, v47  }
0x95: {  	v51 =	vld [tilespmem:s1+$0x10E00];
	v1 =	vadd.s32 v1, v48  }
0x96: {  	v52 =	vld [tilespmem:s1+$0x10F00];
	v1 =	vadd.s32 v1, v49  }
0x97: {  	v1 =	vadd.s32 v1, v5  }
0x98: {  	v1 =	vadd.s32 v1, v6  }
0x99: {  	v1 =	vadd.s32 v1, v50  }
0x9a: {  	v1 =	vadd.s32 v1, v51  }
0x9b: {  	s0 =	sadd.s32 $0x10, s21;
	v1 =	vadd.s32 v1, v52  }
0x9c: {  	[tilespmem:s0+$0x0] =	vst v1  }
0x9d: {  	v10 =	vld [tilespmem:$0x110F0]  }
0x9e: {  	v7 =	vld [tilespmem:$0x110E0]  }
0x9f: {  	v8 =	vld [tilespmem:$0x110D0];
	_ =	sdelay $0x2  }
0xa0: {  	(xrf0) =	vadd.scan.msk.s32 $0xffff, v10  }
0xa1: {  	(xrf0) =	vadd.scan.msk.s32 $0xffff, v7  }
0xa2: {  	(xrf0) =	vadd.scan.msk.s32 $0xffff, v8;
	_ =	sdelay $0x3  }
0xa3: {  	v1, _, _ =	vpop (xrf0)  }
0xa4: {  	(v2sf) =	vpush v1, $0xF;
	v5, _, _ =	vpop (xrf0)  }
0xa5: {  	v9 =	vld [tilespmem:$0x110C0];
	(v2sf) =	vpush v5, $0xF;
	v6, _, _ =	vpop (xrf0)  }
0xa6: {  	(v2sf) =	vpush v6, $0xF;
	_ =	sdelay $0x1  }
0xa7: {  	v11 =	vld [tilespmem:$0x110B0];
	v29 =	vbroadcast v1, $0xF;
	v28 =	vbroadcast v5, $0xF  }
0xa8: {  	v12 =	vld [tilespmem:$0x110A0]  }
0xa9: {  	(xrf0) =	vadd.scan.msk.s32 $0xffff, v9;
	v30 =	vsub.s32 v29, v1;
	v5 =	vsub.s32 v28, v5  }
0xaa: {  	v1 =	vadd.s32 v10, v30;
	v31 =	vadd.s32 v29, v5  }
0xab: {  	[tilespmem:$0x1FE00] =	vst v7;
	vm1 =	vgt.s32 v1, $0x3FFF;
	v1 =	vadd.s32 v7, v31;
	v7 =	vld [tilespmem:$0x1FF10]  }
0xac: {  	(xrf0) =	vadd.scan.msk.s32 $0xffff, v11  }
0xad: {  	(xrf0) =	vadd.scan.msk.s32 $0xffff, v12  }
0xae: {  	vm0 =	vlt.s32 v30, $0x4000  }
0xaf: {  	v26 =	vld [tilespmem:$0x11090];
	v32, _, _ =	vpop (xrf0);
	vm0 =	vmand vm0, vm1  }
0xb0: {  	v5 =	vbroadcast v6, $0xF;
	(v2sf) =	vpush v32, $0xF;
	v33 =	vnsel vm0, $0x0, v7;
	v7 =	vld [tilespmem:$0x1FF20]  }
0xb1: {  	v53 =	vimm.s32 $0x0;
	v54 =	vimm.s32 $0x0  }
0xb2: {  	v36, _, _ =	vpop (xrf0);
	vm1 =	vgt.s32 v1, $0x3FFF;
	v1 =	vsub.s32 v5, v6;
	v5 =	vbroadcast v32, $0xF;
	s1 =	spop (v2sf)  }
0xb3: {  	[tilespmem:$0x1FDF0] =	vst v10;
	v10 =	vsel vm0, $0xFFFFFFFF, v53;
	(v2sf) =	vpush v36, $0xF;
	v37, _, _ =	vpop (xrf0);
	vm0 =	vlt.s32 v31, $0x4000;
	s2 =	spop (v2sf)  }
0xb4: {  	(xrf0) =	vadd.scan.msk.s32 $0xffff, v26;
	(v2sf) =	vpush v37, $0xF;
	v5 =	vsub.s32 v5, v32;
	vm0 =	vmand vm0, vm1;
	s0 =	sadd.s32 s1, s2;
	s3 =	spop (v2sf)  }
0xb5: {  	[tilespmem:$0x1FE10] =	vst v10;
	v10 =	vsel vm0, $0xFFFFFFFF, v54;
	v35 =	vnsel vm0, $0x0, v7;
	v34 =	vadd.s32 s0, v1;
	s0 =	sadd.s32 s3, s0  }
0xb6: {  	v27 =	vld [tilespmem:$0x11080];
	v1 =	vadd.s32 v33, v35;
	v55 =	vadd.s32 v8, v34;
	v35 =	vadd.s32 s0, v5  }
0xb7: {  	vm0 =	vlt.s32 v34, $0x4000;
	vm1 =	vgt.s32 v55, $0x3FFF;
	v5 =	vadd.s32 v9, v35  }
0xb8: {  	vm2 =	vmand vm0, vm1;
	vm1 =	vgt.s32 v5, $0x3FFF;
	v5 =	vld [tilespmem:$0x1FF30];
	_ =	sdelay $0x1  }
0xb9: {  	v28 =	vld [tilespmem:$0x11070]  }
0xba: {  	(xrf0) =	vadd.scan.msk.s32 $0xffff, v27;
	v6, _, _ =	vpop (xrf0)  }
0xbb: {  	v38 =	vbroadcast v36, $0xF;
	(v2sf) =	vpush v6, $0xF;
	v7 =	vimm.s32 $0x0  }
0xbc: {  	v29 =	vld [tilespmem:$0x11060];
	vm0 =	vlt.s32 v35, $0x4000;
	v7 =	vsel vm2, $0xFFFFFFFF, v7;
	v5 =	vnsel vm2, $0x0, v5  }
0xbd: {  	vm0 =	vmand vm0, vm1;
	[tilespmem:$0x1FE50] =	vst v7;
	v7 =	vimm.s32 $0x0;
	v1 =	vadd.s32 v5, v1;
	v5 =	vld [tilespmem:$0x1FF40]  }
0xbe: {  	(xrf0) =	vadd.scan.msk.s32 $0xffff, v28;
	s5 =	spop (v2sf);
	v7 =	vsel vm0, $0xFFFFFFFF, v7  }
0xbf: {  	v36 =	vsub.s32 v38, v36;
	s0 =	sadd.s32 s5, s0;
	[tilespmem:$0x1FE60] =	vst v7;
	v7 =	vld [tilespmem:$0x1FF50]  }
0xc0: {  	v40 =	vbroadcast v37, $0xF;
	v42, _, _ =	vpop (xrf0);
	v39 =	vadd.s32 s0, v36  }
0xc1: {  	v32 =	vld [tilespmem:$0x11050];
	v44 =	vbroadcast v6, $0xF;
	(v2sf) =	vpush v42, $0xF;
	v56 =	vadd.s32 v11, v39  }
0xc2: {  	(xrf0) =	vadd.scan.msk.s32 $0xffff, v29;
	s9 =	spop (v2sf);
	vm1 =	vgt.s32 v56, $0x3FFF;
	v5 =	vnsel vm0, $0x0, v5;
	vm0 =	vlt.s32 v39, $0x4000  }
0xc3: {  	v37 =	vsub.s32 v40, v37;
	v6 =	vsub.s32 v44, v6;
	s0 =	sadd.s32 s9, s0;
	s16 =	spop (v2sf);
	vm0 =	vmand vm0, vm1  }
0xc4: {  	v33 =	vld [tilespmem:$0x11040];
	v43, _, _ =	vpop (xrf0);
	v40 =	vadd.s32 s0, v37;
	s0 =	sadd.s32 s16, s0;
	v1 =	vadd.s32 v5, v1;
	v41 =	vnsel vm0, $0x0, v7  }
0xc5: {  	(v2sf) =	vpush v43, $0xF;
	v1 =	vadd.s32 v41, v1;
	v41 =	vadd.s32 s0, v6;
	v6 =	vld [tilespmem:$0x1FF60]  }
0xc6: {  	[tilespmem:$0x1FE30] =	vst v8;
	(xrf0) =	vadd.scan.msk.s32 $0xffff, v32;
	v8 =	vimm.s32 $0x0;
	v57 =	vadd.s32 v12, v40  }
0xc7: {  	v36 =	vld [tilespmem:$0x11030];
	vm1 =	vgt.s32 v57, $0x3FFF;
	v8 =	vsel vm0, $0xFFFFFFFF, v8;
	vm0 =	vlt.s32 v40, $0x4000  }
0xc8: {  	v38 =	vld [tilespmem:$0x11020];
	v46 =	vbroadcast v42, $0xF;
	v7 =	vimm.s32 $0x0;
	v5, _, _ =	vpop (xrf0);
	vm0 =	vmand vm0, vm1  }
0xc9: {  	(xrf0) =	vadd.scan.msk.s32 $0xffff, v33;
	(v2sf) =	vpush v5, $0xF;
	v7 =	vsel vm0, $0xFFFFFFFF, v7;
	v45 =	vadd.s32 v26, v41  }
0xca: {  	v37 =	vld [tilespmem:$0x11010];
	vm1 =	vgt.s32 v45, $0x3FFF;
	v6 =	vnsel vm0, $0x0, v6;
	vm0 =	vlt.s32 v41, $0x4000  }
0xcb: {  	s17 =	spop (v2sf);
	[tilespmem:$0x1FEA0] =	vst v7;
	v7 =	vimm.s32 $0x0;
	vm0 =	vmand vm0, vm1;
	v1 =	vadd.s32 v6, v1;
	v6 =	vld [tilespmem:$0x1FF70]  }
0xcc: {  	v42 =	vsub.s32 v46, v42;
	s0 =	sadd.s32 s17, s0;
	v58, _, _ =	vpop (xrf0);
	(xrf0) =	vadd.scan.msk.s32 $0xffff, v36;
	v7 =	vsel vm0, $0xFFFFFFFF, v7  }
0xcd: {  	v42 =	vadd.s32 s0, v42;
	(xrf0) =	vadd.scan.msk.s32 $0xffff, v38;
	[tilespmem:$0x1FEB0] =	vst v7;
	v7 =	vld [tilespmem:$0x1FF80]  }
0xce: {  	(v2sf) =	vpush v58, $0xF;
	v60 =	vadd.s32 v27, v42  }
0xcf: {  	v59 =	vbroadcast v43, $0xF;
	v48, _, _ =	vpop (xrf0);
	(xrf0) =	vadd.scan.msk.s32 $0xffff, v37;
	vm1 =	vgt.s32 v60, $0x3FFF  }
0xd0: {  	(v2sf) =	vpush v48, $0xF;
	v6 =	vnsel vm0, $0x0, v6;
	vm0 =	vlt.s32 v42, $0x4000  }
0xd1: {  	s21 =	spop (v2sf);
	vm2 =	vmand vm0, vm1  }
0xd2: {  	v43 =	vsub.s32 v59, v43;
	s0 =	sadd.s32 s21, s0;
	v50, _, _ =	vpop (xrf0);
	v62 =	vnsel vm2, $0x0, v7;
	v7 =	vld [tilespmem:$0x1FF90]  }
0xd3: {  	[tilespmem:$0x1FE80] =	vst v8;
	v8 =	vimm.s32 $0x0;
	v43 =	vadd.s32 s0, v43;
	(v2sf) =	vpush v50, $0xF;
	v61, _, _ =	vpop (xrf0)  }
0xd4: {  	s22 =	spop (v2sf);
	(v2sf) =	vpush v61, $0xF;
	v1 =	vadd.s32 v6, v1;
	v6 =	vadd.s32 v28, v43  }
0xd5: {  	vm0 =	vlt.s32 v43, $0x4000;
	v52, _, _ =	vpop (xrf0);
	vm1 =	vgt.s32 v6, $0x3FFF;
	v6 =	vbroadcast v5, $0xF  }
0xd6: {  	v8 =	vsel vm2, $0xFFFFFFFF, v8;
	(v2sf) =	vpush v52, $0xF;
	vm0 =	vmand vm0, vm1  }
0xd7: {  	s0 =	sadd.s32 s22, s0;
	v5 =	vsub.s32 v6, v5;
	v6 =	vbroadcast v58, $0xF;
	v47 =	vnsel vm0, $0x0, v7;
	v7 =	vld [tilespmem:$0x1FFA0]  }
0xd8: {  	v44 =	vld [tilespmem:$0x11000];
	[tilespmem:$0x1FEC0] =	vst v8;
	v1 =	vadd.s32 v62, v1;
	v8 =	vimm.s32 $0x0;
	v46 =	vadd.s32 s0, v5  }
0xd9: {  	v8 =	vsel vm0, $0xFFFFFFFF, v8;
	s23 =	spop (v2sf);
	v5 =	vadd.s32 v29, v46;
	v6 =	vsub.s32 v6, v58  }
0xda: {  	s0 =	sadd.s32 s23, s0;
	vm0 =	vlt.s32 v46, $0x4000;
	vm1 =	vgt.s32 v5, $0x3FFF;
	v1 =	vadd.s32 v47, v1  }
0xdb: {  	v47 =	vadd.s32 s0, v6;
	vm0 =	vmand vm0, vm1;
	v6 =	vbroadcast v48, $0xF  }
0xdc: {  	[tilespmem:$0x1FED0] =	vst v8;
	v8 =	vimm.s32 $0x0;
	v5 =	vadd.s32 v32, v47;
	v49 =	vnsel vm0, $0x0, v7;
	v7 =	vld [tilespmem:$0x1FFB0]  }
0xdd: {  	(xrf0) =	vadd.scan.msk.s32 $0xffff, v44;
	s24 =	spop (v2sf);
	v8 =	vsel vm0, $0xFFFFFFFF, v8;
	vm1 =	vgt.s32 v5, $0x3FFF;
	v5 =	vsub.s32 v6, v48  }
0xde: {  	s0 =	sadd.s32 s24, s0;
	[tilespmem:$0x1FEE0] =	vst v8;
	v6 =	vbroadcast v50, $0xF;
	v8 =	vimm.s32 $0x0;
	vm0 =	vlt.s32 v47, $0x4000  }
0xdf: {  	s25 =	spop (v2sf);
	vm0 =	vmand vm0, vm1;
	v1 =	vadd.s32 v49, v1;
	v49 =	vadd.s32 s0, v5  }
0xe0: {  	v6 =	vsub.s32 v6, v50;
	s0 =	sadd.s32 s25, s0;
	v8 =	vsel vm0, $0xFFFFFFFF, v8;
	v5 =	vadd.s32 v33, v49  }
0xe1: {  	v50 =	vadd.s32 s0, v6;
	v6 =	vbroadcast v61, $0xF;
	v63 =	vnsel vm0, $0x0, v7;
	v7 =	vld [tilespmem:$0x1FFC0]  }
0xe2: {  	s26 =	spop (v2sf);
	vm1 =	vgt.s32 v5, $0x3FFF;
	v5 =	vadd.s32 v36, v50;
	vm0 =	vlt.s32 v49, $0x4000  }
0xe3: {  	[tilespmem:$0x1FE20] =	vst v10;
	s0 =	sadd.s32 s26, s0;
	vm0 =	vmand vm0, vm1;
	vm1 =	vgt.s32 v5, $0x3FFF;
	v5 =	vsub.s32 v6, v61;
	v6 =	vld [tilespmem:$0x1FFD0]  }
0xe4: {  	v10, _, _ =	vpop (xrf0);
	[tilespmem:$0x1FEF0] =	vst v8;
	v8 =	vimm.s32 $0x0;
	v51 =	vadd.s32 s0, v5;
	v5 =	vbroadcast v52, $0xF  }
0xe5: {  	[tilespmem:$0x1FE70] =	vst v11;
	v11 =	vbroadcast v10, $0xF;
	s28 =	spop (v2sf);
	v8 =	vsel vm0, $0xFFFFFFFF, v8  }
0xe6: {  	[tilespmem:$0x1FE40] =	vst v9;
	s0 =	sadd.s32 s28, s0;
	v5 =	vsub.s32 v5, v52;
	v9 =	vnsel vm0, $0x0, v7;
	vm0 =	vlt.s32 v50, $0x4000  }
0xe7: {  	s29 =	spop (v2sf);
	v1 =	vadd.s32 v63, v1;
	v54 =	vadd.s32 s0, v5;
	vm13 =	vmand vm0, vm1  }
0xe8: {  	s0 =	sadd.s32 s29, s0;
	v5 =	vsub.s32 v11, v10;
	v1 =	vadd.s32 v9, v1;
	v6 =	vnsel vm13, $0x0, v6  }
0xe9: {  	v53 =	vadd.s32 s0, v5;
	v1 =	vadd.s32 v6, v1;
	v6 =	vadd.s32 v38, v51  }
0xea: {  	v5 =	vadd.s32 v44, v53;
	vm1 =	vgt.s32 v6, $0x3FFF;
	v6 =	vld [tilespmem:$0x1FFE0]  }
0xeb: {  	vm2 =	vgt.s32 v5, $0x3FFF;
	v5 =	vld [tilespmem:$0x1FFF0];
	_ =	sdelay $0x1  }
0xec: {  	[tilespmem:$0x1FE90] =	vst v12;
	vm0 =	vlt.s32 v51, $0x4000;
	v12 =	vadd.s32 v37, v54  }
0xed: {  	vm14 =	vmand vm0, vm1;
	vm0 =	vlt.s32 v54, $0x4000;
	vm1 =	vgt.s32 v12, $0x3FFF  }
0xee: {  	vm0 =	vmand vm0, vm1;
	vm1 =	vlt.s32 v53, $0x4000;
	v6 =	vnsel vm14, $0x0, v6  }
0xef: {  	vm15 =	vmand vm1, vm2;
	v5 =	vnsel vm0, $0x0, v5;
	v1 =	vadd.s32 v6, v1  }
0xf0: {  	v1 =	vadd.s32 v5, v1;
	v5 =	vnsel vm15, $0x0, v0  }
0xf1: {  	v1 =	vadd.s32 v5, v1  }
0xf2: {  	(xrf0) =	vadd.scan.msk.s32 $0xffff, v1;
	_ =	sdelay $0x5  }
0xf3: {  	v1, _, _ =	vpop (xrf0)  }
0xf4: {  	(v2sf) =	vpush v1, $0xF;
	_ =	sdelay $0x6  }
0xf5: {  	s30 =	simm.s32 $0x40;
	[tilespmem:$0x1FF00] =	vst v8  }
0xf6: {  	v58 =	vld [tilespmem:s30+$0x10]  }
0xf7: {  	v1 =	vld [tilespmem:s30+$0xFFFFFFC0]  }
0xf8: {  	v62 =	vld [tilespmem:s30+$0x20]  }
0xf9: {  	v5 =	vld [tilespmem:s30+$0xFFFFFFD0];
	_ =	sdelay $0x1  }
0xfa: {  	v19 =	vimm.s32 $0x0  }
0xfb: {  	v14 =	vimm.s32 $0x80000000;
	v21 =	vshll.u32 v19, $0x4;
	v13 =	vld [tilespmem:s30+$0xFFFFFFE0];
	v6 =	vshra.s32 v1, $0x1F  }
0xfc: {  	v16 =	vshra.s32 v58, $0x1F;
	v22 =	vshra.s32 v62, $0x1F;
	v6 =	vand.u32 $0x7FFFFFFF, v6;
	s31 =	spop (v2sf)  }
0xfd: {  	v12 =	vand.u32 $0x7FFFFFFF, v22;
	v59 =	vxor.u32 v1, v6;
	v1 =	vshra.s32 v5, $0x1F;
	s21 =	sadd.s32 $0xFFFFFF80, s31  }
0xfe: {  	v55 =	vld [tilespmem:s30+$0xFFFFFFF0];
	v6 =	vshra.s32 v59, $0x18;
	vm1 =	vgt.s32 v14, v59;
	v60 =	vmov s21  }
0xff: {  	v1 =	vand.u32 $0x7FFFFFFF, v1;
	v15 =	vsel vm1, v14, v59;
	vm1 =	vlt.s32 v6, v60  }
0x100: {  	v45 =	vxor.u32 v5, v1;
	v1 =	vshra.s32 v13, $0x1F;
	v52 =	vsel vm1, v15, v14  }
0x101: {  	v57 =	vld [tilespmem:s30+$0x0];
	v5 =	vshra.s32 v45, $0x18;
	v1 =	vand.u32 $0x7FFFFFFF, v1;
	vm1 =	vgt.s32 v52, v45  }
0x102: {  	v48 =	vxor.u32 v13, v1;
	v56 =	vsel vm1, v52, v45;
	vm1 =	vlt.s32 v5, v60  }
0x103: {  	v1 =	vshra.s32 v55, $0x1F;
	v7 =	vshra.s32 v48, $0x18;
	v52 =	vsel vm1, v56, v52  }
0x104: {  	v1 =	vand.u32 $0x7FFFFFFF, v1;
	vm10 =	veq.s32 v6, v60;
	vm1 =	vgt.s32 v52, v48  }
0x105: {  	vm2 =	veq.s32 v7, v60;
	v56 =	vsel vm1, v52, v48;
	vm1 =	vlt.s32 v7, v60  }
0x106: {  	v56 =	vsel vm1, v56, v52;
	v52 =	vxor.u32 v55, v1;
	v1 =	vshra.s32 v57, $0x1F  }
0x107: {  	v8 =	vshra.s32 v52, $0x18;
	vm1 =	vgt.s32 v56, v52;
	v1 =	vand.u32 $0x7FFFFFFF, v1  }
0x108: {  	v55 =	vsel vm1, v56, v52;
	vm1 =	vlt.s32 v8, v60;
	vm3 =	veq.s32 v8, v60  }
0x109: {  	v56 =	vsel vm1, v55, v56;
	v55 =	vxor.u32 v57, v1;
	v1 =	vld [tilespmem:s30+$0x30];
	v57 =	vand.u32 $0x7FFFFFFF, v16  }
0x10a: {  	v6 =	vsel vm3, $0x1, v2;
	v17 =	vshra.s32 v55, $0x18;
	vm1 =	vgt.s32 v56, v55  }
0x10b: {  	v57 =	vxor.u32 v58, v57;
	v61 =	vsel vm1, v56, v55;
	vm1 =	vlt.s32 v17, v60  }
0x10c: {  	v18 =	vshra.s32 v57, $0x18;
	vm4 =	veq.s32 v17, v60;
	v56 =	vsel vm1, v61, v56  }
0x10d: {  	v61 =	vor.u32 v0, v21;
	vm5 =	veq.s32 v18, v60;
	vm1 =	vgt.s32 v56, v57  }
0x10e: {  	v58 =	vsel vm1, v56, v57;
	vm1 =	vlt.s32 v18, v60;
	v20 =	vshra.s32 v1, $0x1F  }
0x10f: {  	v63 =	vsel vm1, v58, v56;
	v56 =	vand.u32 $0x7FFFFFFF, v20;
	v58 =	vxor.u32 v62, v12  }
0x110: {  	vm1 =	veq.s32 v5, v60;
	v5 =	vsel vm2, $0x1, v2;
	v56 =	vxor.u32 v1, v56  }
0x111: {  	v13 =	vshra.s32 v58, $0x18;
	v1 =	vsel vm10, $0x1, v2;
	vm11 =	vgt.s32 v63, v58  }
0x112: {  	v23 =	vshra.s32 v56, $0x18;
	v62 =	vadd.s32 v1, v19;
	v1 =	vsel vm1, $0x1, v2  }
0x113: {  	vm9 =	vlt.s32 v13, v60;
	vm6 =	veq.s32 v13, v60;
	v1 =	vadd.s32 v1, v62  }
0x114: {  	s1 =	simm.s32 $0x0;
	s5 =	simm.s32 $0xC0;
	vm8 =	vlt.s32 v23, v60;
	vm7 =	veq.s32 v23, v60;
	v5 =	vadd.s32 v5, v1  }
.LBB2_9:
0x115: {  	v7 =	vld [tilespmem:s5+$0x30];
	v6 =	vadd.s32 v6, v5;
	v8 =	vsel vm4, $0x1, v2;
	v9 =	vsel vm11, v63, v58  }
0x116: {  	v11 =	vsel vm5, $0x1, v2;
	v10 =	vld [tilespmem:s5+$0x20];
	[tilespmem:v61+s14+$0x0] =	vst.idx.msk vm10, v59;
	v8 =	vadd.s32 v8, v6;
	v9 =	vsel vm9, v9, v63  }
0x117: {  	v13 =	vsel vm6, $0x1, v2;
	v12 =	vld [tilespmem:s5+$0x10];
	v11 =	vadd.s32 v11, v8;
	vm9 =	vgt.s32 v9, v56  }
0x118: {  	v61 =	vsel vm7, $0x1, v2;
	v63 =	vld [tilespmem:s5+$0x0];
	v13 =	vadd.s32 v13, v11;
	v59 =	vsel vm9, v9, v56  }
0x119: {  	v14 =	vld [tilespmem:s5+$0xFFFFFFF0];
	v9 =	vsel vm8, v59, v9;
	v59 =	vshll.u32 v13, $0x4;
	v13 =	vadd.s32 v61, v13  }
0x11a: {  	v6 =	vshll.u32 v6, $0x4;
	v8 =	vshll.u32 v8, $0x4;
	v11 =	vshll.u32 v11, $0x4;
	v15 =	vld [tilespmem:s5+$0xFFFFFFE0]  }
0x11b: {  	v62 =	vshll.u32 v62, $0x4;
	v1 =	vshll.u32 v1, $0x4;
	v5 =	vshll.u32 v5, $0x4;
	v16 =	vld [tilespmem:s5+$0xFFFFFFD0]  }
0x11c: {  	v11 =	vor.u32 v0, v11;
	v61 =	vshll.u32 v13, $0x4;
	v59 =	vor.u32 v0, v59;
	v17 =	vld [tilespmem:s5+$0xFFFFFFC0]  }
0x11d: {  	s1 =	sadd.s32 $0x8, s1;
	v5 =	vor.u32 v0, v5;
	v6 =	vor.u32 v0, v6;
	v8 =	vor.u32 v0, v8  }
0x11e: {  	p0 =	slt.u32 s1, $0x7F8;
	v62 =	vor.u32 v0, v62;
	v1 =	vor.u32 v0, v1;
	v61 =	vor.u32 v0, v61  }
0x11f: {  	v19 =	vshra.s32 v7, $0x1F;
	v18 =	vshra.s32 v10, $0x1F  }
0x120: {  	v22 =	vshra.s32 v12, $0x1F;
	v21 =	vshra.s32 v63, $0x1F;
	v20 =	vshra.s32 v14, $0x1F  }
0x121: {  	v25 =	vshra.s32 v15, $0x1F;
	v24 =	vshra.s32 v16, $0x1F;
	v23 =	vshra.s32 v17, $0x1F;
	[tilespmem:v59+s14+$0x0] =	vst.idx.msk vm7, v56  }
0x122: {  	v19 =	vand.u32 $0x7FFFFFFF, v19;
	v18 =	vand.u32 $0x7FFFFFFF, v18;
	v22 =	vand.u32 $0x7FFFFFFF, v22;
	[tilespmem:v11+s14+$0x0] =	vst.idx.msk vm6, v58  }
0x123: {  	v21 =	vand.u32 $0x7FFFFFFF, v21;
	v20 =	vand.u32 $0x7FFFFFFF, v20;
	v11 =	vand.u32 $0x7FFFFFFF, v23;
	[tilespmem:v8+s14+$0x0] =	vst.idx.msk vm5, v57  }
0x124: {  	v59 =	vxor.u32 v17, v11;
	v8 =	vand.u32 $0x7FFFFFFF, v24;
	v11 =	vand.u32 $0x7FFFFFFF, v25;
	[tilespmem:v6+s14+$0x0] =	vst.idx.msk vm4, v55  }
0x125: {  	v56 =	vxor.u32 v7, v19;
	v6 =	vshra.s32 v59, $0x18;
	vm4 =	vgt.s32 v9, v59;
	[tilespmem:v5+s14+$0x0] =	vst.idx.msk vm3, v52  }
0x126: {  	v58 =	vxor.u32 v10, v18;
	vm3 =	vlt.s32 v6, v60;
	v5 =	vsel vm4, v9, v59  }
0x127: {  	v57 =	vxor.u32 v12, v22;
	v7 =	vxor.u32 v16, v8;
	v5 =	vsel vm3, v5, v9  }
0x128: {  	v55 =	vxor.u32 v63, v21;
	v8 =	vshra.s32 v7, $0x18;
	vm3 =	vgt.s32 v5, v7;
	[tilespmem:v1+s14+$0x0] =	vst.idx.msk vm2, v48  }
0x129: {  	v52 =	vxor.u32 v14, v20;
	vm2 =	vlt.s32 v8, v60;
	v1 =	vsel vm3, v5, v7  }
0x12a: {  	v48 =	vxor.u32 v15, v11;
	v1 =	vsel vm2, v1, v5;
	v5 =	vshra.s32 v56, $0x18;
	[tilespmem:v62+s14+$0x0] =	vst.idx.msk vm1, v45  }
0x12b: {  	v10 =	vshra.s32 v58, $0x18;
	v9 =	vshra.s32 v48, $0x18;
	vm1 =	vgt.s32 v1, v48;
	v45 =	vmovc v7  }
0x12c: {  	v11 =	vshra.s32 v57, $0x18;
	vm2 =	vlt.s32 v9, v60;
	v7 =	vsel vm1, v1, v48  }
0x12d: {  	v12 =	vshra.s32 v55, $0x18;
	v1 =	vsel vm2, v7, v1;
	v7 =	vshra.s32 v52, $0x18  }
0x12e: {  	vm9 =	vlt.s32 v10, v60;
	vm8 =	vlt.s32 v5, v60;
	vm1 =	vgt.s32 v1, v52  }
0x12f: {  	vm7 =	veq.s32 v5, v60;
	vm2 =	vlt.s32 v7, v60;
	v14 =	vsel vm1, v1, v52  }
0x130: {  	vm6 =	veq.s32 v10, v60;
	vm11 =	vlt.s32 v11, v60;
	v1 =	vsel vm2, v14, v1  }
0x131: {  	vm5 =	veq.s32 v11, v60;
	vm1 =	vlt.s32 v12, v60;
	vm2 =	vgt.s32 v1, v55  }
0x132: {  	vm4 =	veq.s32 v12, v60;
	vm3 =	veq.s32 v7, v60;
	v5 =	vsel vm2, v1, v55  }
.Ltmp3:
0x133: {  	vm10 =	veq.s32 v6, v60;
	vm2 =	veq.s32 v9, v60;
	v5 =	vsel vm1, v5, v1;
	(pc) =	sbr.rel @p0 .LBB2_9-.Ltmp3, $4  }
0x134: {  	v1 =	vsel vm10, $0x1, v2;
	vm1 =	veq.s32 v8, v60;
	vm12 =	vgt.s32 v5, v57  }
0x135: {  	v62 =	vadd.s32 v1, v13;
	v1 =	vsel vm1, $0x1, v2;
	v6 =	vsel vm12, v5, v57  }
0x136: {  	v7 =	vsel vm2, $0x1, v2;
	v1 =	vadd.s32 v1, v62;
	v63 =	vsel vm11, v6, v5  }
0x137: {  	s5 =	sadd.s32 $0x80, s5;
	v5 =	vadd.s32 v7, v1;
	v6 =	vsel vm3, $0x1, v2;
	vm11 =	vgt.s32 v63, v58  }
0x138: {  	v7 =	vld [tilespmem:$0x1FE10]  }
0x139: {  	v8 =	vld [tilespmem:$0x1FDF0]  }
0x13a: {  	v9 =	vld [tilespmem:$0x1FE20]  }
0x13b: {  	v10 =	vld [tilespmem:$0x1FE00]  }
0x13c: {  	v11 =	vld [tilespmem:$0x1FE50]  }
0x13d: {  	v12 =	vld [tilespmem:$0x1FE30]  }
0x13e: {  	v13 =	vld [tilespmem:$0x1FE60]  }
0x13f: {  	v14 =	vld [tilespmem:$0x1FE40]  }
0x140: {  	v15 =	vld [tilespmem:$0x1FE80]  }
0x141: {  	v16 =	vld [tilespmem:$0x1FE70]  }
0x142: {  	v17 =	vld [tilespmem:$0x1FEA0]  }
0x143: {  	v18 =	vld [tilespmem:$0x1FE90];
	vm12 =	vnez.u8 v7  }
0x144: {  	v19 =	vld [tilespmem:$0x1FEB0];
	v7 =	vnsel vm12, $0x0, v30;
	v8 =	vnsel vm12, $0x0, v8;
	vm12 =	vnez.u8 v9  }
0x145: {  	v21 =	vld [tilespmem:$0x1FEC0];
	v9 =	vnsel vm12, $0x0, v31;
	v10 =	vnsel vm12, $0x0, v10;
	vm12 =	vnez.u8 v11  }
0x146: {  	v23 =	vld [tilespmem:$0x1FED0];
	v11 =	vnsel vm12, $0x0, v34;
	v12 =	vnsel vm12, $0x0, v12;
	vm12 =	vnez.u8 v13  }
0x147: {  	v25 =	vld [tilespmem:$0x1FEE0];
	v13 =	vnsel vm12, $0x0, v35;
	v14 =	vnsel vm12, $0x0, v14;
	vm12 =	vnez.u8 v15  }
0x148: {  	v15 =	vnsel vm12, $0x0, v39;
	v16 =	vnsel vm12, $0x0, v16;
	vm12 =	vnez.u8 v17  }
0x149: {  	v17 =	vnsel vm12, $0x0, v40;
	v18 =	vnsel vm12, $0x0, v18;
	vm12 =	vnez.u8 v19  }
0x14a: {  	v19 =	vnsel vm12, $0x0, v41;
	v20 =	vnsel vm12, $0x0, v26;
	vm12 =	vnez.u8 v21  }
0x14b: {  	v21 =	vnsel vm12, $0x0, v42;
	v22 =	vnsel vm12, $0x0, v27;
	vm12 =	vnez.u8 v23  }
0x14c: {  	v23 =	vnsel vm12, $0x0, v43;
	v24 =	vnsel vm12, $0x0, v28;
	vm12 =	vnez.u8 v25  }
0x14d: {  	v60 =	vnsel vm13, $0x0, v50;
	v25 =	vnsel vm12, $0x0, v46;
	v46 =	vld [tilespmem:$0x1FEF0]  }
0x14e: {  	v36 =	vnsel vm13, $0x0, v36;
	v6 =	vadd.s32 v6, v5;
	v7 =	vadd.s32 v7, v9  }
0x14f: {  	v50 =	vsel vm6, $0x1, v2;
	v8 =	vadd.s32 v8, v10;
	v7 =	vadd.s32 v11, v7  }
0x150: {  	v8 =	vadd.s32 v12, v8;
	v39 =	vnsel vm14, $0x0, v51;
	v7 =	vadd.s32 v13, v7  }
0x151: {  	v8 =	vadd.s32 v14, v8;
	v40 =	vnsel vm14, $0x0, v38;
	v7 =	vadd.s32 v15, v7  }
0x152: {  	v8 =	vadd.s32 v16, v8;
	v26 =	vnsel vm12, $0x0, v29;
	vm12 =	vnez.u8 v46  }
0x153: {  	v7 =	vadd.s32 v17, v7;
	v8 =	vadd.s32 v18, v8;
	v27 =	vnsel vm12, $0x0, v47;
	v47 =	vld [tilespmem:$0x1FF00]  }
0x154: {  	v41 =	vnsel vm0, $0x0, v54;
	v7 =	vadd.s32 v19, v7;
	v8 =	vadd.s32 v20, v8  }
0x155: {  	v42 =	vnsel vm0, $0x0, v37;
	v7 =	vadd.s32 v21, v7;
	v8 =	vadd.s32 v22, v8  }
0x156: {  	v43 =	vnsel vm15, $0x0, v53;
	v7 =	vadd.s32 v23, v7;
	v8 =	vadd.s32 v24, v8  }
0x157: {  	v53 =	vsel vm7, $0x1, v2;
	v7 =	vadd.s32 v25, v7;
	v8 =	vadd.s32 v26, v8  }
0x158: {  	v46 =	vnsel vm15, $0x0, v44;
	v28 =	vnsel vm12, $0x0, v32;
	vm12 =	vnez.u8 v47  }
0x159: {  	v7 =	vadd.s32 v27, v7;
	v8 =	vadd.s32 v28, v8;
	v29 =	vnsel vm12, $0x0, v49  }
0x15a: {  	v47 =	vsel vm4, $0x1, v2;
	v30 =	vnsel vm12, $0x0, v33;
	v7 =	vadd.s32 v29, v7  }
0x15b: {  	v15 =	vadd.s32 v47, v6;
	v8 =	vadd.s32 v30, v8;
	v7 =	vadd.s32 v60, v7  }
0x15c: {  	v49 =	vsel vm5, $0x1, v2;
	v8 =	vadd.s32 v36, v8;
	v7 =	vadd.s32 v39, v7  }
0x15d: {  	v16 =	vadd.s32 v49, v15;
	v8 =	vadd.s32 v40, v8;
	v7 =	vadd.s32 v41, v7  }
0x15e: {  	v51 =	vadd.s32 v50, v16;
	v8 =	vadd.s32 v42, v8;
	v7 =	vadd.s32 v43, v7  }
0x15f: {  	v20 =	vadd.s32 v53, v51;
	v8 =	vadd.s32 v46, v8;
	(xrf0) =	vadd.scan.msk.s32 $0xffff, v7  }
0x160: {  	v7 =	vxor.u32 $0x80000000, v20;
	(xrf0) =	vadd.scan.msk.s32 $0xffff, v8  }
0x161: {  	(xrf0) =	vmax.scan.msk.u32 $0xffff, v7;
	_ =	sdelay $0x3  }
0x162: {  	v7, _, _ =	vpop (xrf0)  }
0x163: {  	v8, _, _ =	vpop (xrf0);
	(v2sf) =	vpush v7, $0xF  }
0x164: {  	(v2sf) =	vpush v8, $0xF;
	v7, _, _ =	vpop (xrf0)  }
0x165: {  	(v2sf) =	vpush v7, $0xF;
	_ =	sdelay $0xc  }
0x166: {  	v7 =	vshll.u32 v51, $0x4;
	s0 =	spop (v2sf)  }
0x167: {  	v5 =	vshll.u32 v5, $0x4;
	v7 =	vor.u32 v0, v7;
	s22 =	spop (v2sf)  }
0x168: {  	v1 =	vshll.u32 v1, $0x4;
	v5 =	vor.u32 v0, v5;
	s1 =	spop (v2sf)  }
0x169: {  	v1 =	vor.u32 v0, v1;
	v54 =	vshll.u32 v16, $0x4;
	s23 =	sxor.u32 $0x80000000, s1  }
0x16a: {  	v6 =	vshll.u32 v6, $0x4;
	v8 =	vor.u32 v0, v54;
	s5 =	sshra.s32 s23, $0x1F  }
0x16b: {  	[tilespmem:v61+s14+$0x0] =	vst.idx.msk vm10, v59;
	v6 =	vor.u32 v0, v6;
	v60 =	vshll.u32 v15, $0x4;
	s5 =	sshrl.u32 s5, $0x1E  }
0x16c: {  	v9 =	vor.u32 v0, v60;
	[tilespmem:v7+s14+$0x0] =	vst.idx.msk vm7, v56;
	v7 =	vshll.u32 v62, $0x4;
	s24 =	ssub.s32 $0x4001, s0;
	s5 =	sadd.s32 s5, s23  }
0x16d: {  	[tilespmem:v5+s14+$0x0] =	vst.idx.msk vm3, v52;
	v7 =	vor.u32 v0, v7;
	s28 =	ssub.s32 $0x4000, s0;
	p0 =	slt.s32 s24, s22;
	s25 =	sand.u32 $0xFFFFFFFC, s5  }
.Ltmp4:
0x16e: {  	[tilespmem:v1+s14+$0x0] =	vst.idx.msk vm2, v48;
	v62 =	vsel vm11, v63, v58;
	s26 =	smov.u32 s22;
	s5 =	ssub.s32 s23, s25;
	(pc) =	sbr.rel .LBB2_11-.Ltmp4, $4  }
0x16f: {  	[tilespmem:v8+s14+$0x0] =	vst.idx.msk vm6, v58;
	v8 =	vsel vm9, v62, v63;
	s1 =	sshll.u32 s1, $0x6;
	s26 =	smov.u32 @p0 s24;
	s9 =	sshll.u32 s5, $0x6  }
0x170: {  	[tilespmem:v6+s14+$0x0] =	vst.idx.msk vm4, v55;
	vm15 =	vgt.s32 v8, v56;
	p0 =	slt.s32 s25, $0x1;
	p1 =	sge.s32 s25, s23;
	s1 =	ssub.s32 s1, s9  }
0x171: {  	[tilespmem:v9+s14+$0x0] =	vst.idx.msk vm5, v57;
	v5 =	vsel vm15, v8, v56;
	s30 =	ssub.s32 $0x0, s5;
	s9 =	sshll.u32 s21, $0x18;
	s29 =	sshra.s32 s1, $0x2  }
0x172: {  	v21 =	vsel vm8, v5, v8;
	[tilespmem:v7+s14+$0x0] =	vst.idx.msk vm1, v45;
	s5 =	simm.s32 $0x0;
	s1 =	smov.u32 s9;
	s31 =	sadd.s32 $0x8000, s29  }
.LBB2_16:
0x173: {  	(xrf0) =	vadd.scan.msk.s32 $0xffff, v6;
	_ =	sdelay $0x3  }
0x174: {  	(xrf0) =	vadd.scan.msk.s32 $0xffff, v22;
	_ =	sdelay $0x1  }
0x175: {  	v1, _, _ =	vpop (xrf0)  }
0x176: {  	(v2sf) =	vpush v1, $0xF;
	_ =	sdelay $0x2  }
0x177: {  	v1, _, _ =	vpop (xrf0)  }
0x178: {  	(v2sf) =	vpush v1, $0xF;
	_ =	sdelay $0xa  }
0x179: {  	s0 =	spop (v2sf)  }
0x17a: {  	s5 =	sadd.s32 $0x1, s5;
	p2 =	slt.s32 s0, s28  }
0x17b: {  	s21 =	smov.u32 @p2 s1;
	p2 =	sne.s32 s5, $0x18  }
.Ltmp5:
0x17c: {  	_ = 	snop;
	(pc) =	sbr.rel @!p2 .LBB2_17-.Ltmp5, $4  }
0x17d: {  	s2 =	spop (v2sf)  }
0x17e: {  	p3 =	slt.s32 s2, s26  }
0x17f: {  	s29 =	smov.u32 @p3 s9  }
0x180: {  	s1 =	smov.u32 s21;
	s9 =	smov.u32 s29  }
.LBB2_11:
.Ltmp6:
0x181: {  	(pc) =	sbr.rel @p0 .LBB2_12-.Ltmp6, $4  }
0x182: {  	_ = 	snop  }
0x183: {  	s0 =	sshrl.u32 s15, s5  }
0x184: {  	s21 =	sor.u32 s0, s1;
	s29 =	sor.u32 s0, s9  }
0x185: {  	v1 =	vmov s21;
	v5 =	vmov s29  }
0x186: {  	s17 =	simm.s32 $0x8020  }
0x187: {  	v6 =	vld [tilespmem:s17+$0x10]  }
0x188: {  	v7 =	vld [tilespmem:s17+$0x0]  }
0x189: {  	v8 =	vld [tilespmem:s17+$0xFFFFFFF0]  }
0x18a: {  	v9 =	vld [tilespmem:s17+$0xFFFFFFE0]  }
0x18b: {  	s0 =	simm.s32 $0x0;
	s3 =	simm.s32 $0x1  }
0x18c: {  	v22 =	vimm.s32 $0x0;
	s16 =	simm.s32 $0x2;
	s2 =	simm.s32 $0x3;
	vm2 =	vgt.s32 v20, s0;
	vm3 =	vgt.s32 v20, s3  }
0x18d: {  	vm0 =	vgt.s32 v20, s16;
	vm4 =	vgt.s32 v20, s2;
	vm1 =	vge.s32 v7, v1  }
0x18e: {  	p2 =	sgt.s32 s25, $0x4;
	vm5 =	vge.s32 v6, v1;
	vm6 =	vge.s32 v6, v5;
	vm7 =	vge.s32 v8, v1  }
.Ltmp7:
0x18f: {  	vm8 =	vge.s32 v8, v5;
	vm9 =	vge.s32 v7, v5;
	vm10 =	vge.s32 v9, v1;
	(pc) =	sbr.rel @!p2 .LBB2_26-.Ltmp7, $4  }
0x190: {  	vm11 =	vge.s32 v9, v5;
	v6 =	vimm.s32 $0x0;
	vm12 =	vmand vm4, vm5  }
0x191: {  	vm13 =	vmand vm0, vm1;
	vm1 =	vmand vm0, vm9;
	vm0 =	vmand vm4, vm6  }
0x192: {  	vm5 =	vmand vm2, vm10;
	vm4 =	vmand vm3, vm7;
	vm3 =	vmand vm3, vm8  }
0x193: {  	s17 =	simm.s32 $0x4;
	s0 =	simm.s32 $0x8060;
	vm2 =	vmand vm2, vm11;
	v24 =	vsel vm13, $0x1, v2;
	v23 =	vsel vm12, $0x1, v2  }
.LBB2_25:
0x194: {  	v7 =	vld [tilespmem:s0+$0x10];
	v8 =	vsel vm5, $0x1, v2;
	v9 =	vsel vm2, $0x1, v2;
	v10 =	vsel vm4, $0x1, v2  }
0x195: {  	v11 =	vld [tilespmem:s0+$0x0];
	v8 =	vadd.s32 v8, v22;
	v6 =	vadd.s32 v9, v6;
	v9 =	vsel vm3, $0x1, v2  }
0x196: {  	v12 =	vld [tilespmem:s0+$0xFFFFFFF0];
	v8 =	vadd.s32 v10, v8;
	v6 =	vadd.s32 v9, v6;
	v9 =	vsel vm1, $0x1, v2  }
0x197: {  	v10 =	vld [tilespmem:s0+$0xFFFFFFE0];
	v8 =	vadd.s32 v24, v8;
	v6 =	vadd.s32 v9, v6;
	v9 =	vsel vm0, $0x1, v2  }
0x198: {  	vm2 =	vgt.s32 v20, s17;
	s2 =	sadd.s32 $0x1, s17;
	s3 =	sadd.s32 $0x2, s17;
	s16 =	sadd.s32 $0x3, s17;
	v22 =	vadd.s32 v23, v8;
	v6 =	vadd.s32 v9, v6  }
0x199: {  	s17 =	sadd.s32 $0x4, s17;
	vm3 =	vgt.s32 v20, s2;
	vm4 =	vgt.s32 v20, s16;
	vm0 =	vgt.s32 v20, s3  }
0x19a: {  	p2 =	slt.s32 s17, s25;
	vm5 =	vge.s32 v7, v1;
	vm6 =	vge.s32 v7, v5;
	vm1 =	vge.s32 v11, v1  }
.Ltmp8:
0x19b: {  	vm9 =	vge.s32 v11, v5;
	vm7 =	vge.s32 v12, v1;
	vm8 =	vge.s32 v12, v5;
	(pc) =	sbr.rel @p2 .LBB2_25-.Ltmp8, $4  }
0x19c: {  	vm12 =	vmand vm4, vm5;
	vm10 =	vge.s32 v10, v1;
	vm11 =	vge.s32 v10, v5  }
0x19d: {  	vm13 =	vmand vm0, vm1;
	vm1 =	vmand vm0, vm9;
	vm0 =	vmand vm4, vm6  }
0x19e: {  	vm4 =	vmand vm3, vm7;
	vm3 =	vmand vm3, vm8;
	vm5 =	vmand vm2, vm10  }
0x19f: {  	s0 =	sadd.s32 $0x40, s0;
	v23 =	vsel vm12, $0x1, v2;
	v24 =	vsel vm13, $0x1, v2;
	vm2 =	vmand vm2, vm11  }
.LBB2_26:
.Ltmp9:
0x1a0: {  	v7 =	vsel vm5, $0x1, v2;
	v8 =	vsel vm2, $0x1, v2;
	v9 =	vsel vm4, $0x1, v2;
	(pc) =	sbr.rel .LBB2_13-.Ltmp9, $4  }
0x1a1: {  	v7 =	vadd.s32 v7, v22;
	v6 =	vadd.s32 v8, v6;
	v8 =	vsel vm3, $0x1, v2  }
0x1a2: {  	v7 =	vadd.s32 v9, v7;
	v6 =	vadd.s32 v8, v6;
	v8 =	vsel vm1, $0x1, v2  }
0x1a3: {  	v63 =	vsel vm0, $0x1, v2;
	v7 =	vadd.s32 v24, v7;
	v8 =	vadd.s32 v8, v6  }
0x1a4: {  	v6 =	vadd.s32 v23, v7;
	v22 =	vadd.s32 v63, v8  }
.LBB2_12:
0x1a5: {  	v6 =	vimm.s32 $0x0;
	v22 =	vimm.s32 $0x0  }
.LBB2_13:
.Ltmp10:
0x1a6: {  	(pc) =	sbr.rel @p1 .LBB2_16-.Ltmp10, $1  }
0x1a7: {  	_ =	sdelay $0x3  }
0x1a8: {  	s0 =	smov.u32 s31;
	s17 =	smov.u32 s30  }
.LBB2_15:
0x1a9: {  	v7 =	vld [tilespmem:s0+$0x0];
	_ =	sdelay $0x1  }
0x1aa: {  	s2 =	sadd.s32 s17, s23;
	s17 =	sadd.s32 $0x1, s17  }
0x1ab: {  	p2 =	seq.s32 s17, $0x0  }
.Ltmp11:
0x1ac: {  	_ = 	snop;
	(pc) =	sbr.rel @!p2 .LBB2_15-.Ltmp11, $4  }
0x1ad: {  	vm0 =	vgt.s32 v20, s2;
	vm1 =	vge.s32 v7, v1;
	vm2 =	vge.s32 v7, v5  }
0x1ae: {  	vm1 =	vmand vm0, vm1;
	vm0 =	vmand vm0, vm2  }
0x1af: {  	v7 =	vsel vm1, $0x1, v2;
	v8 =	vsel vm0, $0x1, v2  }
0x1b0: {  	s0 =	sadd.s32 $0x10, s0;
	v6 =	vadd.s32 v7, v6;
	v22 =	vadd.s32 v8, v22  }
.Ltmp12:
0x1b1: {  	_ = 	snop;
	(pc) =	sbr.rel .LBB2_16-.Ltmp12, $1  }
0x1b2: {  	_ =	sdelay $0x3  }
.LBB2_17:
0x1b3: {  	v1 =	vxor.u32 $0x80000000, v21  }
0x1b4: {  	(xrf0) =	vmax.scan.msk.u32 $0xffff, v1;
	_ =	sdelay $0x5  }
0x1b5: {  	v1, _, _ =	vpop (xrf0)  }
0x1b6: {  	(v2sf) =	vpush v1, $0xF;
	_ =	sdelay $0xe  }
0x1b7: {  	s0 =	spop (v2sf)  }
0x1b8: {  	p0 =	sgt.s32 s24, s22;
	s0 =	sxor.u32 $0x80000000, s0  }
0x1b9: {  	s29 =	smov.u32 @p0 s0  }
0x1ba: {  	s31 =	sshra.s32 s21, $0x1F;
	s1 =	sshra.s32 s29, $0x1F  }
0x1bb: {  	s0 =	sand.u32 $0x7FFFFFFF, s31;
	s1 =	sand.u32 $0x7FFFFFFF, s1  }
0x1bc: {  	[tilespmem:$0x8000] =	vst v4;
	s2 =	simm.s32 $0x40;
	s0 =	sxor.u32 s21, s0;
	s1 =	sxor.u32 s29, s1  }
0x1bd: {  	v6 =	vld [tilespmem:s2+$0xFFFFFFD0];
	s0 =	sadd.f32 s1, s0;
	_ =	sdelay $0x1  }
0x1be: {  	v7 =	vld [tilespmem:s2+$0xFFFFFFE0];
	s0 =	smul.f32 $5.000000000e-01, s0  }
0x1bf: {  	v5 =	vld [tilespmem:s2+$0x40]  }
0x1c0: {  	v8 =	vld [tilespmem:s2+$0xFFFFFFF0];
	v1 =	vmov s0  }
0x1c1: {  	v10 =	vld [tilespmem:s2+$0x0];
	vm4 =	vgt.f32 v6, v1  }
0x1c2: {  	v9 =	vimm.f32 $0.0e+00;
	v21 =	vld [tilespmem:s2+$0x20];
	v6 =	vsel vm4, $0x0, v6  }
0x1c3: {  	v20 =	vld [tilespmem:s2+$0x30];
	vm5 =	vgt.f32 v7, v1;
	v6 =	vadd.f32 v6, v9  }
0x1c4: {  	v62 =	vld [tilespmem:s2+$0x10];
	v7 =	vsel vm5, $0x0, v7  }
0x1c5: {  	vm6 =	vgt.f32 v8, v1;
	v6 =	vadd.f32 v7, v6  }
0x1c6: {  	vm3 =	vgt.f32 v10, v1;
	v8 =	vsel vm6, $0x0, v8  }
0x1c7: {  	vm0 =	vgt.f32 v5, v1;
	vm2 =	vgt.f32 v21, v1;
	v6 =	vadd.f32 v8, v6  }
0x1c8: {  	vm1 =	vgt.f32 v20, v1;
	v63 =	vsel vm4, $0x1, v2;
	v8 =	vsel vm3, $0x0, v10  }
0x1c9: {  	s1 =	simm.s32 $0x8040;
	vm4 =	vgt.f32 v62, v1;
	v7 =	vimm.s32 $0x0;
	v6 =	vadd.f32 v8, v6  }
0x1ca: {  	[tilespmem:s1+$0xFFFFFFD0] =	vst v63;
	v9 =	vsel vm4, $0x0, v62;
	v7 =	vadd.s32 v63, v7;
	v8 =	vsel vm5, $0x1, v2  }
0x1cb: {  	s5 =	simm.s32 $0x1;
	s9 =	simm.s32 $0xC0;
	v23 =	vsel vm6, $0x1, v2;
	v22 =	vadd.s32 v8, v7;
	[tilespmem:s1+$0xFFFFFFE0] =	vst v8;
	v6 =	vadd.f32 v9, v6  }
.LBB2_18:
0x1cc: {  	v7 =	vld [tilespmem:s9+$0xFFFFFFD0];
	s5 =	sadd.s32 $0x8, s5;
	v8 =	vadd.s32 v23, v22;
	[tilespmem:s1+$0xFFFFFFF0] =	vst v23;
	v9 =	vsel vm3, $0x1, v2;
	v10 =	vsel vm2, $0x0, v21  }
0x1cd: {  	p0 =	slt.u32 s5, $0x7F1;
	v8 =	vadd.s32 v9, v8;
	[tilespmem:s1+$0x0] =	vst v9;
	v9 =	vsel vm4, $0x1, v2;
	v6 =	vadd.f32 v10, v6  }
0x1ce: {  	v11 =	vsel vm1, $0x0, v20;
	v10 =	vld [tilespmem:s9+$0xFFFFFFE0];
	v8 =	vadd.s32 v9, v8;
	[tilespmem:s1+$0x10] =	vst v9;
	v9 =	vsel vm2, $0x1, v2  }
0x1cf: {  	v12 =	vld [tilespmem:s9+$0x40];
	v8 =	vadd.s32 v9, v8;
	[tilespmem:s1+$0x20] =	vst v9;
	v9 =	vsel vm1, $0x1, v2;
	v6 =	vadd.f32 v11, v6  }
0x1d0: {  	v5 =	vsel vm0, $0x0, v5;
	v11 =	vld [tilespmem:s9+$0xFFFFFFF0];
	v8 =	vadd.s32 v9, v8;
	[tilespmem:s1+$0x30] =	vst v9;
	v9 =	vsel vm0, $0x1, v2  }
0x1d1: {  	vm4 =	vgt.f32 v7, v1;
	v20 =	vld [tilespmem:s9+$0x30];
	v8 =	vadd.s32 v9, v8;
	v13 =	vadd.f32 v5, v6;
	[tilespmem:s1+$0x40] =	vst v9  }
0x1d2: {  	v6 =	vsel vm4, $0x0, v7;
	v7 =	vld [tilespmem:s9+$0x0]  }
0x1d3: {  	v6 =	vadd.f32 v6, v13;
	vm5 =	vgt.f32 v10, v1;
	v21 =	vld [tilespmem:s9+$0x20]  }
0x1d4: {  	v9 =	vsel vm5, $0x0, v10;
	v10 =	vld [tilespmem:s9+$0x10];
	v5 =	vmov v12  }
0x1d5: {  	v6 =	vadd.f32 v9, v6;
	vm6 =	vgt.f32 v11, v1  }
0x1d6: {  	v9 =	vsel vm6, $0x0, v11  }
.Ltmp13:
0x1d7: {  	vm0 =	vgt.f32 v5, v1;
	v6 =	vadd.f32 v9, v6;
	vm3 =	vgt.f32 v7, v1;
	(pc) =	sbr.rel @p0 .LBB2_18-.Ltmp13, $4  }
0x1d8: {  	vm1 =	vgt.f32 v20, v1;
	v7 =	vsel vm3, $0x0, v7;
	vm2 =	vgt.f32 v21, v1  }
0x1d9: {  	s1 =	sadd.s32 $0x80, s1;
	v9 =	vsel vm4, $0x1, v2;
	v6 =	vadd.f32 v7, v6;
	vm4 =	vgt.f32 v10, v1  }
0x1da: {  	v7 =	vadd.s32 v9, v8;
	v8 =	vsel vm5, $0x1, v2;
	[tilespmem:s1+$0xFFFFFFD0] =	vst v9;
	v9 =	vsel vm4, $0x0, v10  }
0x1db: {  	s9 =	sadd.s32 $0x80, s9;
	v23 =	vsel vm6, $0x1, v2;
	v22 =	vadd.s32 v8, v7;
	[tilespmem:s1+$0xFFFFFFE0] =	vst v8;
	v6 =	vadd.f32 v9, v6  }
0x1dc: {  	v7 =	vadd.s32 v23, v22;
	[tilespmem:s1+$0xFFFFFFF0] =	vst v23;
	v8 =	vsel vm3, $0x1, v2;
	v9 =	vsel vm2, $0x0, v21  }
0x1dd: {  	v7 =	vadd.s32 v8, v7;
	[tilespmem:s1+$0x0] =	vst v8;
	v8 =	vsel vm4, $0x1, v2;
	v6 =	vadd.f32 v9, v6  }
0x1de: {  	v63 =	vsel vm1, $0x0, v20;
	v7 =	vadd.s32 v8, v7;
	[tilespmem:s1+$0x10] =	vst v8;
	v8 =	vsel vm2, $0x1, v2  }
0x1df: {  	v7 =	vadd.s32 v8, v7;
	[tilespmem:s1+$0x20] =	vst v8;
	v8 =	vsel vm1, $0x1, v2;
	v9 =	vadd.f32 v63, v6  }
0x1e0: {  	v5 =	vsel vm0, $0x0, v5;
	v6 =	vadd.s32 v8, v7;
	[tilespmem:s1+$0x30] =	vst v8;
	v7 =	vsel vm0, $0x1, v2  }
0x1e1: {  	s0 =	simm.s32 $0x0;
	v6 =	vadd.s32 v7, v6;
	v5 =	vadd.f32 v5, v9;
	[tilespmem:s1+$0x40] =	vst v7  }
.LBB2_20:
0x1e2: {  	s1 =	sshra.s32 s0, $0x2  }
0x1e3: {  	v7 =	vld [tilespmem:s1+$0x7F90];
	_ =	sdelay $0x1  }
0x1e4: {  	p0 =	sne.s32 s0, $0x180  }
.Ltmp14:
0x1e5: {  	_ = 	snop;
	(pc) =	sbr.rel @p0 .LBB2_20-.Ltmp14, $4  }
0x1e6: {  	_ = 	snop  }
0x1e7: {  	vm0 =	vgt.f32 v7, v1  }
0x1e8: {  	v8 =	vsel vm0, $0x1, v2;
	v7 =	vsel vm0, $0x0, v7  }
0x1e9: {  	s0 =	sadd.s32 $0x40, s0;
	v6 =	vadd.s32 v8, v6;
	v5 =	vadd.f32 v7, v5;
	[tilespmem:s1+$0xFF90] =	vst v8  }
0x1ea: {  	(xrf0) =	vadd.scan.msk.s32 $0xffff, v6;
	_ =	sdelay $0x5  }
0x1eb: {  	v1, _, _ =	vpop (xrf0)  }
0x1ec: {  	(v2sf) =	vpush v1, $0xF;
	_ =	sdelay $0x3  }
0x1ed: {  	(xrf2) =	vadd.scan.msk.f32 $0xffff, v5;
	_ =	sdelay $0x9  }
0x1ee: {  	v1, _, _ =	vpop (xrf2)  }
0x1ef: {  	v1 =	vbroadcast v1, $0xF;
	s0 =	spop (v2sf)  }
0x1f0: {  	vm0 =	vcmask $0x704;
	s0 =	scvt.s32.f32 s0  }
0x1f1: {  	vm15 =	veq.s32 v0, $0x0;
	v1 =	vnsel vm0, $0x0, v1  }
0x1f2: {  	s29 =	rddreg [dreg:$0x1];
	v1 =	vsel vm15, s0, v1  }
0x1f3: {  	s0 =	sadd.s32 s29, s20;
	[tilespmem:$0x11100] =	vst v1  }
0x1f4: {  	[hbm4b:s0+s10] =	stream.strided.scatter [tilespmem:s14], [sflag:$0x1], $0x8000, s11, s10, $0x38;
	[tilespmem:$0x11180] =	vst v63  }
0x1f5: {  	_ =	swait.ge [sflag:s12], $0x8000  }
0x1f6: {  	[sflag:s12] =	ssyncset.done $0x0  }
0x1f7: {  	s30 =	sadd.s32 s8, s19;
	s18 =	sadd.s32 $0x1, s18;
	[sflag:s12] =	ssyncadd.s32 $0xFFFF8000  }
0x1f8: {  	p0 =	sne.s32 s18, $0x4;
	s0 =	sshrl.u32 s30, $0x3;
	s1 =	rddreg [dreg:$0x2]  }
.Ltmp15:
0x1f9: {  	s31 =	simm.s32 $0x11100;
	s0 =	sadd.s32 s1, s0;
	(pc) =	sbr.rel @p0 .LBB2_2-.Ltmp15, $4  }
0x1fa: {  	[hbm4b:s0+s4] =	stream.linear.scatter [tilespmem:s31], [sflag:$0x1], $0x80, $0x38;
	[tilespmem:$0x11180] =	vst v63  }
0x1fb: {  	_ =	swait.ge [sflag:s12], $0x80  }
0x1fc: {  	[sflag:s12] =	ssyncset.done $0x0  }
0x1fd: {  	[sflag:s12] =	ssyncadd.s32 $0xFFFFFF80  }
0x1fe: {  	s1 =	rddreg [dreg:$0x5]  }
0x1ff: {  	s0 =	rddreg [dreg:$0x4];
	s1 =	sadd.s32 $0x1, s1  }
0x200: {  	p0 =	sne.s32 s1, s0  }
.Ltmp16:
0x201: {  	_ = 	snop;
	(pc) =	sbr.rel @p0 .LBB2_1-.Ltmp16, $1  }
0x202: {  	_ =	sdelay $0x3  }
0x203: {  	_ =	sfence.sel $0x180000  }
0x204: {  	[bflag:$0x0] =	sbarrier.arrive $0xFFFF  }
0x205: {  	_ =	strace $0x90000047  }
0x206: {  	s0 =	stileid.u32;
	[bflag:$0x2] =	sbarrier.arrive $0xFFFF  }
0x207: {  	p0 =	sne.s32 s0, $0x0;
	s0 =	rddreg [dreg:$0x3]  }
0x208: {  	s0 =	sadd.s32 @!p0 $0x100000, s0  }
0x209: {  	[sflag:s0] =	ssyncadd.tile.s32 @!p0 $0x1;
	_ =	shalt  }
.Lfunc_end2:
_tile_overlayer_lowered:
.L_overlay_start_2:
0x20a: {  	(tag) =	ssettag $0x2  }
0x20b: {  	s0 =	rddreg [dreg:$0x0];
	s2 =	stileid.u32  }
0x20c: {  	s1 =	rddreg [dreg:$0x1];
	p0 =	sne.s32 s2, $0x0  }
0x20d: {  	s3 =	rddreg [dreg:$0x2];
	[bflag:$0x3] =	sbarrier.arrive $0xFFFF;
	s2 =	simm.s32 @!p0 $0x1C01  }
0x20e: {  	[timem:s3], [sflag:s2] =	dma.local @!p0 [hbm:s0], s1  }
0x20f: {  	s0 =	simm.s32 @!p0 $0x1  }
0x210: {  	_ =	swait.ge @!p0 [sflag:s0], s1  }
0x211: {  	s1 =	ssub.s32 @!p0 $0x0, s1;
	[sflag:s0] =	ssyncset.done @!p0 $0x0  }
0x212: {  	[sflag:s0] =	ssyncadd.s32 @!p0 s1  }
0x213: {  	[bflag:$0x3] =	sbarrier.arrive $0xFFFF  }
0x214: {  	_ =	shalt  }

</sc_bundles>
